<compile_context>
chip_gen: v7x
topology: tpu7x:2x2x1
jax: 0.10.2.dev20260603
libtpu: 0.0.44.dev20260713+nightly
codegen_flags: <defaults>
</compile_context>

<pallas_src>
import jax
import jax.numpy as jnp
from jax import lax
from jax.experimental import pallas as pl
from jax.experimental.pallas import tpu as pltpu
from jax.experimental.pallas import tpu_sc as plsc

N_ATOMS = 150000
N_STRUCT = 1000
N_FEAT = 128
N_SPECIES = 4

NC = 2
NS = 16

CHUNK = 125
CHUNKS_PER_TILE = N_ATOMS // (NS * CHUNK)
ROWS_PER_TILE = CHUNK * CHUNKS_PER_TILE
ZROWS = 2 * N_STRUCT // NS
NBUF = 3
NGROUPS = CHUNKS_PER_TILE // NBUF


def _sc_body(f0, i0, f1, i1, f2, i2, f3, i3, out_hbm,
             acc_a, acc_b, zbuf, idxbuf, idxbuf2, fbuf, lsem):
  cid = lax.axis_index("c")
  sid = lax.axis_index("s")

  def src_of(f_hbm, k):
    return f_hbm.at[pl.ds(sid * ROWS_PER_TILE + k * CHUNK, CHUNK)]

  first_f = [f0, f2]
  first_i = [i0, i2]
  second_i = [i1, i3]
  for c_val in range(NC):
    @pl.when(cid == c_val)
    def _():
      for b in range(NBUF):
        pltpu.async_copy(src_of(first_f[c_val], b), fbuf.at[b], lsem.at[b])
      pltpu.sync_copy(first_i[c_val].at[sid], idxbuf)
      pltpu.sync_copy(second_i[c_val].at[sid], idxbuf2)

  def zstore(i, carry):
    r = i // (N_FEAT // 16)
    c = (i % (N_FEAT // 16)) * 16
    zbuf[r, pl.ds(c, 16)] = jnp.zeros((16,), jnp.float32)
    return carry
  lax.fori_loop(0, ZROWS * (N_FEAT // 16), zstore, None)

  @pl.when(sid < NS // 2)
  def _():
    pltpu.sync_copy(zbuf, acc_a.at[pl.ds(sid * ZROWS, ZROWS)])

  @pl.when(sid >= NS // 2)
  def _():
    pltpu.sync_copy(zbuf, acc_b.at[pl.ds((sid - NS // 2) * ZROWS, ZROWS)])

  plsc.subcore_barrier()

  def process(f_hbm, idx_ref, acc, next_f=None):
    def src(k):
      return src_of(f_hbm, k)

    def group(g, carry):
      for b in range(NBUF):
        k = g * NBUF + b
        pltpu.make_async_copy(src(k), fbuf.at[b], lsem.at[b]).wait()
        pltpu.sync_copy(fbuf.at[b], acc.at[idx_ref.at[k]], add=True)

        @pl.when(g < NGROUPS - 1)
        def _():
          pltpu.async_copy(src(k + NBUF), fbuf.at[b], lsem.at[b])

        if next_f is not None:
          @pl.when(g == NGROUPS - 1)
          def _():
            pltpu.async_copy(src_of(next_f, b), fbuf.at[b], lsem.at[b])
      return carry

    lax.fori_loop(0, NGROUPS, group, None)

  @pl.when(cid == 0)
  def _():
    process(f0, idxbuf, acc_a, next_f=f1)
    process(f1, idxbuf2, acc_b)

  @pl.when(cid == 1)
  def _():
    process(f2, idxbuf, acc_a, next_f=f3)
    process(f3, idxbuf2, acc_b)

  plsc.subcore_barrier()

  @pl.when(sid < NS // 2)
  def _():
    pltpu.sync_copy(acc_a.at[pl.ds(sid * ZROWS, ZROWS)],
                    out_hbm.at[pl.ds(sid * ZROWS, ZROWS), 2 * cid])

  @pl.when(sid >= NS // 2)
  def _():
    pltpu.sync_copy(
        acc_b.at[pl.ds((sid - NS // 2) * ZROWS, ZROWS)],
        out_hbm.at[pl.ds((sid - NS // 2) * ZROWS, ZROWS), 2 * cid + 1])


@jax.jit
def _sum_atoms(f0, i0, f1, i1, f2, i2, f3, i3):
  mesh = plsc.VectorSubcoreMesh(
      core_axis_name="c", subcore_axis_name="s", num_cores=NC, num_subcores=NS)
  call = pl.kernel(
      _sc_body,
      out_type=jax.ShapeDtypeStruct((N_STRUCT, N_SPECIES, N_FEAT), jnp.float32),
      mesh=mesh,
      scratch_types=[
          pltpu.VMEM_SHARED((N_STRUCT, N_FEAT), jnp.float32),
          pltpu.VMEM_SHARED((N_STRUCT, N_FEAT), jnp.float32),
          pltpu.VMEM((ZROWS, N_FEAT), jnp.float32),
          pltpu.VMEM((CHUNKS_PER_TILE, CHUNK), jnp.int32),
          pltpu.VMEM((CHUNKS_PER_TILE, CHUNK), jnp.int32),
          pltpu.VMEM((NBUF, CHUNK, N_FEAT), jnp.float32),
          pltpu.SemaphoreType.DMA((NBUF,)),
      ],
      compiler_params=pltpu.CompilerParams(use_tc_tiling_on_sc=False),
  )
  return call(f0, i0, f1, i1, f2, i2, f3, i3)


def kernel(features_1, structure_indices_1, features_6, structure_indices_6,
           features_7, structure_indices_7, features_8, structure_indices_8):
  def prep(idx):
    return idx.astype(jnp.int32).reshape(NS, CHUNKS_PER_TILE, CHUNK)

  out = _sum_atoms(
      features_1, prep(structure_indices_1),
      features_6, prep(structure_indices_6),
      features_7, prep(structure_indices_7),
      features_8, prep(structure_indices_8))
  return out.reshape(N_STRUCT, N_SPECIES * N_FEAT)

# --- scband reference (transcript-rebuilt; emitter-appended) ---
"""Pipeline reference for scband-sum-atoms-module-11312943857709 (READ-ONLY COPY).

The authoritative reference and input builder live on the scoring server;
editing this copy changes nothing except your own understanding.
"""

import jax, jax.numpy as jnp
import numpy as np

ALL_SPECIES = [1, 6, 7, 8]
N_FEATURES = 128
N_ATOMS = 150000
N_STRUCT = 1000


def setup_inputs(seed: int = 0) -> dict:
    key = jax.random.key(seed)
    inp = {}
    for i, s in enumerate(ALL_SPECIES):
        kf = jax.random.fold_in(key, 2 * i)
        ki = jax.random.fold_in(key, 2 * i + 1)
        inp[f"features_{s}"] = jax.random.normal(kf, (N_ATOMS, N_FEATURES), dtype=jnp.float32)
        inp[f"structure_indices_{s}"] = jnp.sort(jax.random.randint(ki, (N_ATOMS,), 0, N_STRUCT, dtype=jnp.int64))
    return inp


def reference(features_1, structure_indices_1, features_6, structure_indices_6,
              features_7, structure_indices_7, features_8, structure_indices_8):
    features = {1: features_1, 6: features_6, 7: features_7, 8: features_8}
    structure_indices = {1: structure_indices_1, 6: structure_indices_6,
                         7: structure_indices_7, 8: structure_indices_8}
    n_structures = N_STRUCT
    summed_features = []
    for species in ALL_SPECIES:
        acc = jnp.zeros((n_structures, N_FEATURES), dtype=jnp.float32)
        acc = acc.at[structure_indices[species]].add(features[species])
        summed_features.append(acc)
    out = jnp.stack(summed_features, axis=1).reshape(n_structures, len(ALL_SPECIES) * N_FEATURES)
    return out


if False:  # reference __main__ guard neutralized (emitter)
    o = reference(**setup_inputs())
    print(o.shape, o.dtype)

if __name__ == "__main__":
    import jax
    _d = setup_inputs()
    print(jax.jit(kernel)(*tuple(_d.values())))

</pallas_src>

<mosaic_0001>
#map = affine_map<(d0, d1) -> (0, 0)>
#map1 = affine_map<(d0, d1) -> (0, 0, 0)>
module attributes {stable_mosaic.version = 14 : i64} {
  func.func @_sc_body(%arg0: i32, %arg1: i32, %arg2: memref<150000x128xf32, #tpu.memory_space<hbm>>, %arg3: memref<16x75x125xi32, #tpu.memory_space<hbm>>, %arg4: memref<150000x128xf32, #tpu.memory_space<hbm>>, %arg5: memref<16x75x125xi32, #tpu.memory_space<hbm>>, %arg6: memref<150000x128xf32, #tpu.memory_space<hbm>>, %arg7: memref<16x75x125xi32, #tpu.memory_space<hbm>>, %arg8: memref<150000x128xf32, #tpu.memory_space<hbm>>, %arg9: memref<16x75x125xi32, #tpu.memory_space<hbm>>, %arg10: memref<1000x4x128xf32, #tpu.memory_space<hbm>>, %arg11: memref<1000x128xf32, #tpu.memory_space<vmem_shared>>, %arg12: memref<1000x128xf32, #tpu.memory_space<vmem_shared>>, %arg13: memref<125x128xf32, #tpu.memory_space<vmem>>, %arg14: memref<75x125xi32, #tpu.memory_space<vmem>>, %arg15: memref<75x125xi32, #tpu.memory_space<vmem>>, %arg16: memref<3x125x128xf32, #tpu.memory_space<vmem>>, %arg17: memref<3x!tpu.dma_semaphore, #tpu.memory_space<semaphore_mem>>) attributes {dimension_semantics = [#tpu.dimension_semantics<core_parallel>, #tpu.dimension_semantics<subcore_parallel>], iteration_bounds = array<i64: 2, 16>, scalar_prefetch = 0 : i64, scratch_operands = 7 : i64, tpu.core_type = #tpu.core_type<sc_vector_subcore>, window_params = [{transform_indices = #map}, {transform_indices = #map1}, {transform_indices = #map}, {transform_indices = #map1}, {transform_indices = #map}, {transform_indices = #map1}, {transform_indices = #map}, {transform_indices = #map1}, {transform_indices = #map1}]} {
    %eq3A = arith.constant 0 : i32
    %eq3A_0 = arith.cmpi eq, %arg0, %eq3A : i32
    %convert_element_type3A = arith.extui %eq3A_0 : i1 to i32
    %cond3A = arith.constant 0 : i32
    %cond3A_1 = arith.cmpi ne, %convert_element_type3A, %cond3A : i32
    scf.if %cond3A_1 {
      %mul3A = arith.constant 9375 : i32
      %mul3A_40 = arith.muli %arg1, %mul3A : i32
      %add3A = arith.constant 0 : i32
      %add3A_41 = arith.addi %mul3A_40, %add3A : i32
      %dma_start3A = arith.constant 0 : i32
      %dma_start3A_42 = arith.constant 0 : i32
      %dma_start3A_43 = arith.constant 0 : i32
      %dma_start3A_44 = arith.constant 0 : i32
      %dma_start3A_45 = tpu.memref_slice %arg16[%dma_start3A, %dma_start3A_43, %dma_start3A_44] : memref<3x125x128xf32, #tpu.memory_space<vmem>> -> memref<1x125x128xf32, #tpu.memory_space<vmem>>
      %dma_start3A_46 = tpu.memref_squeeze %dma_start3A_45 : memref<1x125x128xf32, #tpu.memory_space<vmem>> -> memref<125x128xf32, #tpu.memory_space<vmem>>
      %dma_start3A_47 = arith.constant 0 : i32
      %dma_start3A_48 = tpu.memref_slice %arg2[%add3A_41, %dma_start3A_47] : memref<150000x128xf32, #tpu.memory_space<hbm>> -> memref<125x128xf32, #tpu.memory_space<hbm>>
      %dma_start3A_49 = tpu.memref_slice %arg17[%dma_start3A_42] : memref<3x!tpu.dma_semaphore, #tpu.memory_space<semaphore_mem>> -> memref<1x!tpu.dma_semaphore, #tpu.memory_space<semaphore_mem>>
      %dma_start3A_50 = tpu.memref_squeeze %dma_start3A_49 : memref<1x!tpu.dma_semaphore, #tpu.memory_space<semaphore_mem>> -> memref<!tpu.dma_semaphore, #tpu.memory_space<semaphore_mem>>
      %dma_start3A_51 = arith.constant 0 : i32
      %dma_start3A_52 = arith.constant 0 : i32
      %dma_start3A_53 = tpu.memref_slice %arg16[%dma_start3A, %dma_start3A_51, %dma_start3A_52] : memref<3x125x128xf32, #tpu.memory_space<vmem>> -> memref<1x125x128xf32, #tpu.memory_space<vmem>>
      %dma_start3A_54 = tpu.memref_squeeze %dma_start3A_53 : memref<1x125x128xf32, #tpu.memory_space<vmem>> -> memref<125x128xf32, #tpu.memory_space<vmem>>
      %dma_start3A_55 = arith.constant 0 : i32
      %dma_start3A_56 = tpu.memref_slice %arg2[%add3A_41, %dma_start3A_55] : memref<150000x128xf32, #tpu.memory_space<hbm>> -> memref<125x128xf32, #tpu.memory_space<hbm>>
      tpu.enqueue_dma source(%dma_start3A_56 : memref<125x128xf32, #tpu.memory_space<hbm>>) target(%dma_start3A_54 : memref<125x128xf32, #tpu.memory_space<vmem>>) target_semaphore(%dma_start3A_50 : memref<!tpu.dma_semaphore, #tpu.memory_space<semaphore_mem>>)
      %mul3A_57 = arith.constant 9375 : i32
      %mul3A_58 = arith.muli %arg1, %mul3A_57 : i32
      %add3A_59 = arith.constant 125 : i32
      %add3A_60 = arith.addi %mul3A_58, %add3A_59 : i32
      %dma_start3A_61 = arith.constant 1 : i32
      %dma_start3A_62 = arith.constant 1 : i32
      %dma_start3A_63 = arith.constant 0 : i32
      %dma_start3A_64 = arith.constant 0 : i32
      %dma_start3A_65 = tpu.memref_slice %arg16[%dma_start3A_61, %dma_start3A_63, %dma_start3A_64] : memref<3x125x128xf32, #tpu.memory_space<vmem>> -> memref<1x125x128xf32, #tpu.memory_space<vmem>>
      %dma_start3A_66 = tpu.memref_squeeze %dma_start3A_65 : memref<1x125x128xf32, #tpu.memory_space<vmem>> -> memref<125x128xf32, #tpu.memory_space<vmem>>
      %dma_start3A_67 = arith.constant 0 : i32
      %dma_start3A_68 = tpu.memref_slice %arg2[%add3A_60, %dma_start3A_67] : memref<150000x128xf32, #tpu.memory_space<hbm>> -> memref<125x128xf32, #tpu.memory_space<hbm>>
      %dma_start3A_69 = tpu.memref_slice %arg17[%dma_start3A_62] : memref<3x!tpu.dma_semaphore, #tpu.memory_space<semaphore_mem>> -> memref<1x!tpu.dma_semaphore, #tpu.memory_space<semaphore_mem>>
      %dma_start3A_70 = tpu.memref_squeeze %dma_start3A_69 : memref<1x!tpu.dma_semaphore, #tpu.memory_space<semaphore_mem>> -> memref<!tpu.dma_semaphore, #tpu.memory_space<semaphore_mem>>
      %dma_start3A_71 = arith.constant 0 : i32
      %dma_start3A_72 = arith.constant 0 : i32
      %dma_start3A_73 = tpu.memref_slice %arg16[%dma_start3A_61, %dma_start3A_71, %dma_start3A_72] : memref<3x125x128xf32, #tpu.memory_space<vmem>> -> memref<1x125x128xf32, #tpu.memory_space<vmem>>
      %dma_start3A_74 = tpu.memref_squeeze %dma_start3A_73 : memref<1x125x128xf32, #tpu.memory_space<vmem>> -> memref<125x128xf32, #tpu.memory_space<vmem>>
      %dma_start3A_75 = arith.constant 0 : i32
      %dma_start3A_76 = tpu.memref_slice %arg2[%add3A_60, %dma_start3A_75] : memref<150000x128xf32, #tpu.memory_space<hbm>> -> memref<125x128xf32, #tpu.memory_space<hbm>>
      tpu.enqueue_dma source(%dma_start3A_76 : memref<125x128xf32, #tpu.memory_space<hbm>>) target(%dma_start3A_74 : memref<125x128xf32, #tpu.memory_space<vmem>>) target_semaphore(%dma_start3A_70 : memref<!tpu.dma_semaphore, #tpu.memory_space<semaphore_mem>>)
      %mul3A_77 = arith.constant 9375 : i32
      %mul3A_78 = arith.muli %arg1, %mul3A_77 : i32
      %add3A_79 = arith.constant 250 : i32
      %add3A_80 = arith.addi %mul3A_78, %add3A_79 : i32
      %dma_start3A_81 = arith.constant 2 : i32
      %dma_start3A_82 = arith.constant 2 : i32
      %dma_start3A_83 = arith.constant 0 : i32
      %dma_start3A_84 = arith.constant 0 : i32
      %dma_start3A_85 = tpu.memref_slice %arg16[%dma_start3A_81, %dma_start3A_83, %dma_start3A_84] : memref<3x125x128xf32, #tpu.memory_space<vmem>> -> memref<1x125x128xf32, #tpu.memory_space<vmem>>
      %dma_start3A_86 = tpu.memref_squeeze %dma_start3A_85 : memref<1x125x128xf32, #tpu.memory_space<vmem>> -> memref<125x128xf32, #tpu.memory_space<vmem>>
      %dma_start3A_87 = arith.constant 0 : i32
      %dma_start3A_88 = tpu.memref_slice %arg2[%add3A_80, %dma_start3A_87] : memref<150000x128xf32, #tpu.memory_space<hbm>> -> memref<125x128xf32, #tpu.memory_space<hbm>>
      %dma_start3A_89 = tpu.memref_slice %arg17[%dma_start3A_82] : memref<3x!tpu.dma_semaphore, #tpu.memory_space<semaphore_mem>> -> memref<1x!tpu.dma_semaphore, #tpu.memory_space<semaphore_mem>>
      %dma_start3A_90 = tpu.memref_squeeze %dma_start3A_89 : memref<1x!tpu.dma_semaphore, #tpu.memory_space<semaphore_mem>> -> memref<!tpu.dma_semaphore, #tpu.memory_space<semaphore_mem>>
      %dma_start3A_91 = arith.constant 0 : i32
      %dma_start3A_92 = arith.constant 0 : i32
      %dma_start3A_93 = tpu.memref_slice %arg16[%dma_start3A_81, %dma_start3A_91, %dma_start3A_92] : memref<3x125x128xf32, #tpu.memory_space<vmem>> -> memref<1x125x128xf32, #tpu.memory_space<vmem>>
      %dma_start3A_94 = tpu.memref_squeeze %dma_start3A_93 : memref<1x125x128xf32, #tpu.memory_space<vmem>> -> memref<125x128xf32, #tpu.memory_space<vmem>>
      %dma_start3A_95 = arith.constant 0 : i32
      %dma_start3A_96 = tpu.memref_slice %arg2[%add3A_80, %dma_start3A_95] : memref<150000x128xf32, #tpu.memory_space<hbm>> -> memref<125x128xf32, #tpu.memory_space<hbm>>
      tpu.enqueue_dma source(%dma_start3A_96 : memref<125x128xf32, #tpu.memory_space<hbm>>) target(%dma_start3A_94 : memref<125x128xf32, #tpu.memory_space<vmem>>) target_semaphore(%dma_start3A_90 : memref<!tpu.dma_semaphore, #tpu.memory_space<semaphore_mem>>)
      "tpu.region"() ({
        %run_scoped3A = tpu.sem_alloc : memref<!tpu.dma_semaphore, #tpu.memory_space<semaphore_mem>>
        %dma_start3A_97 = arith.constant 0 : i32
        %dma_start3A_98 = arith.constant 0 : i32
        %dma_start3A_99 = tpu.memref_slice %arg3[%arg1, %dma_start3A_97, %dma_start3A_98] : memref<16x75x125xi32, #tpu.memory_space<hbm>> -> memref<1x75x125xi32, #tpu.memory_space<hbm>>
        %dma_start3A_100 = tpu.memref_squeeze %dma_start3A_99 : memref<1x75x125xi32, #tpu.memory_space<hbm>> -> memref<75x125xi32, #tpu.memory_space<hbm>>
        %dma_start3A_101 = arith.constant 0 : i32
        %dma_start3A_102 = arith.constant 0 : i32
        %dma_start3A_103 = tpu.memref_slice %arg3[%arg1, %dma_start3A_101, %dma_start3A_102] : memref<16x75x125xi32, #tpu.memory_space<hbm>> -> memref<1x75x125xi32, #tpu.memory_space<hbm>>
        %dma_start3A_104 = tpu.memref_squeeze %dma_start3A_103 : memref<1x75x125xi32, #tpu.memory_space<hbm>> -> memref<75x125xi32, #tpu.memory_space<hbm>>
        tpu.enqueue_dma source(%dma_start3A_104 : memref<75x125xi32, #tpu.memory_space<hbm>>) target(%arg14 : memref<75x125xi32, #tpu.memory_space<vmem>>) target_semaphore(%run_scoped3A : memref<!tpu.dma_semaphore, #tpu.memory_space<semaphore_mem>>)
        %dma_wait3A = arith.constant 0 : i32
        %dma_wait3A_105 = arith.constant 0 : i32
        %dma_wait3A_106 = tpu.memref_slice %arg3[%arg1, %dma_wait3A, %dma_wait3A_105] : memref<16x75x125xi32, #tpu.memory_space<hbm>> -> memref<1x75x125xi32, #tpu.memory_space<hbm>>
        %dma_wait3A_107 = tpu.memref_squeeze %dma_wait3A_106 : memref<1x75x125xi32, #tpu.memory_space<hbm>> -> memref<75x125xi32, #tpu.memory_space<hbm>>
        %dma_wait3A_108 = arith.constant 0 : i32
        %dma_wait3A_109 = arith.constant 0 : i32
        %dma_wait3A_110 = tpu.memref_slice %arg3[%arg1, %dma_wait3A_108, %dma_wait3A_109] : memref<16x75x125xi32, #tpu.memory_space<hbm>> -> memref<1x75x125xi32, #tpu.memory_space<hbm>>
        %dma_wait3A_111 = tpu.memref_squeeze %dma_wait3A_110 : memref<1x75x125xi32, #tpu.memory_space<hbm>> -> memref<75x125xi32, #tpu.memory_space<hbm>>
        tpu.wait_dma2 semaphore(%run_scoped3A : memref<!tpu.dma_semaphore, #tpu.memory_space<semaphore_mem>>) src(%dma_wait3A_111 : memref<75x125xi32, #tpu.memory_space<hbm>>) dst(%arg14 : memref<75x125xi32, #tpu.memory_space<vmem>>)
        tpu.yield
      }) : () -> ()
      "tpu.region"() ({
        %run_scoped3A = tpu.sem_alloc : memref<!tpu.dma_semaphore, #tpu.memory_space<semaphore_mem>>
        %dma_start3A_97 = arith.constant 0 : i32
        %dma_start3A_98 = arith.constant 0 : i32
        %dma_start3A_99 = tpu.memref_slice %arg5[%arg1, %dma_start3A_97, %dma_start3A_98] : memref<16x75x125xi32, #tpu.memory_space<hbm>> -> memref<1x75x125xi32, #tpu.memory_space<hbm>>
        %dma_start3A_100 = tpu.memref_squeeze %dma_start3A_99 : memref<1x75x125xi32, #tpu.memory_space<hbm>> -> memref<75x125xi32, #tpu.memory_space<hbm>>
        %dma_start3A_101 = arith.constant 0 : i32
        %dma_start3A_102 = arith.constant 0 : i32
        %dma_start3A_103 = tpu.memref_slice %arg5[%arg1, %dma_start3A_101, %dma_start3A_102] : memref<16x75x125xi32, #tpu.memory_space<hbm>> -> memref<1x75x125xi32, #tpu.memory_space<hbm>>
        %dma_start3A_104 = tpu.memref_squeeze %dma_start3A_103 : memref<1x75x125xi32, #tpu.memory_space<hbm>> -> memref<75x125xi32, #tpu.memory_space<hbm>>
        tpu.enqueue_dma source(%dma_start3A_104 : memref<75x125xi32, #tpu.memory_space<hbm>>) target(%arg15 : memref<75x125xi32, #tpu.memory_space<vmem>>) target_semaphore(%run_scoped3A : memref<!tpu.dma_semaphore, #tpu.memory_space<semaphore_mem>>)
        %dma_wait3A = arith.constant 0 : i32
        %dma_wait3A_105 = arith.constant 0 : i32
        %dma_wait3A_106 = tpu.memref_slice %arg5[%arg1, %dma_wait3A, %dma_wait3A_105] : memref<16x75x125xi32, #tpu.memory_space<hbm>> -> memref<1x75x125xi32, #tpu.memory_space<hbm>>
        %dma_wait3A_107 = tpu.memref_squeeze %dma_wait3A_106 : memref<1x75x125xi32, #tpu.memory_space<hbm>> -> memref<75x125xi32, #tpu.memory_space<hbm>>
        %dma_wait3A_108 = arith.constant 0 : i32
        %dma_wait3A_109 = arith.constant 0 : i32
        %dma_wait3A_110 = tpu.memref_slice %arg5[%arg1, %dma_wait3A_108, %dma_wait3A_109] : memref<16x75x125xi32, #tpu.memory_space<hbm>> -> memref<1x75x125xi32, #tpu.memory_space<hbm>>
        %dma_wait3A_111 = tpu.memref_squeeze %dma_wait3A_110 : memref<1x75x125xi32, #tpu.memory_space<hbm>> -> memref<75x125xi32, #tpu.memory_space<hbm>>
        tpu.wait_dma2 semaphore(%run_scoped3A : memref<!tpu.dma_semaphore, #tpu.memory_space<semaphore_mem>>) src(%dma_wait3A_111 : memref<75x125xi32, #tpu.memory_space<hbm>>) dst(%arg15 : memref<75x125xi32, #tpu.memory_space<vmem>>)
        tpu.yield
      }) : () -> ()
    } else {
    }
    %eq3A_2 = arith.constant 1 : i32
    %eq3A_3 = arith.cmpi eq, %arg0, %eq3A_2 : i32
    %convert_element_type3A_4 = arith.extui %eq3A_3 : i1 to i32
    %cond3A_5 = arith.constant 0 : i32
    %cond3A_6 = arith.cmpi ne, %convert_element_type3A_4, %cond3A_5 : i32
    scf.if %cond3A_6 {
      %mul3A = arith.constant 9375 : i32
      %mul3A_40 = arith.muli %arg1, %mul3A : i32
      %add3A = arith.constant 0 : i32
      %add3A_41 = arith.addi %mul3A_40, %add3A : i32
      %dma_start3A = arith.constant 0 : i32
      %dma_start3A_42 = arith.constant 0 : i32
      %dma_start3A_43 = arith.constant 0 : i32
      %dma_start3A_44 = arith.constant 0 : i32
      %dma_start3A_45 = tpu.memref_slice %arg16[%dma_start3A, %dma_start3A_43, %dma_start3A_44] : memref<3x125x128xf32, #tpu.memory_space<vmem>> -> memref<1x125x128xf32, #tpu.memory_space<vmem>>
      %dma_start3A_46 = tpu.memref_squeeze %dma_start3A_45 : memref<1x125x128xf32, #tpu.memory_space<vmem>> -> memref<125x128xf32, #tpu.memory_space<vmem>>
      %dma_start3A_47 = arith.constant 0 : i32
      %dma_start3A_48 = tpu.memref_slice %arg6[%add3A_41, %dma_start3A_47] : memref<150000x128xf32, #tpu.memory_space<hbm>> -> memref<125x128xf32, #tpu.memory_space<hbm>>
      %dma_start3A_49 = tpu.memref_slice %arg17[%dma_start3A_42] : memref<3x!tpu.dma_semaphore, #tpu.memory_space<semaphore_mem>> -> memref<1x!tpu.dma_semaphore, #tpu.memory_space<semaphore_mem>>
      %dma_start3A_50 = tpu.memref_squeeze %dma_start3A_49 : memref<1x!tpu.dma_semaphore, #tpu.memory_space<semaphore_mem>> -> memref<!tpu.dma_semaphore, #tpu.memory_space<semaphore_mem>>
      %dma_start3A_51 = arith.constant 0 : i32
      %dma_start3A_52 = arith.constant 0 : i32
      %dma_start3A_53 = tpu.memref_slice %arg16[%dma_start3A, %dma_start3A_51, %dma_start3A_52] : memref<3x125x128xf32, #tpu.memory_space<vmem>> -> memref<1x125x128xf32, #tpu.memory_space<vmem>>
      %dma_start3A_54 = tpu.memref_squeeze %dma_start3A_53 : memref<1x125x128xf32, #tpu.memory_space<vmem>> -> memref<125x128xf32, #tpu.memory_space<vmem>>
      %dma_start3A_55 = arith.constant 0 : i32
      %dma_start3A_56 = tpu.memref_slice %arg6[%add3A_41, %dma_start3A_55] : memref<150000x128xf32, #tpu.memory_space<hbm>> -> memref<125x128xf32, #tpu.memory_space<hbm>>
      tpu.enqueue_dma source(%dma_start3A_56 : memref<125x128xf32, #tpu.memory_space<hbm>>) target(%dma_start3A_54 : memref<125x128xf32, #tpu.memory_space<vmem>>) target_semaphore(%dma_start3A_50 : memref<!tpu.dma_semaphore, #tpu.memory_space<semaphore_mem>>)
      %mul3A_57 = arith.constant 9375 : i32
      %mul3A_58 = arith.muli %arg1, %mul3A_57 : i32
      %add3A_59 = arith.constant 125 : i32
      %add3A_60 = arith.addi %mul3A_58, %add3A_59 : i32
      %dma_start3A_61 = arith.constant 1 : i32
      %dma_start3A_62 = arith.constant 1 : i32
      %dma_start3A_63 = arith.constant 0 : i32
      %dma_start3A_64 = arith.constant 0 : i32
      %dma_start3A_65 = tpu.memref_slice %arg16[%dma_start3A_61, %dma_start3A_63, %dma_start3A_64] : memref<3x125x128xf32, #tpu.memory_space<vmem>> -> memref<1x125x128xf32, #tpu.memory_space<vmem>>
      %dma_start3A_66 = tpu.memref_squeeze %dma_start3A_65 : memref<1x125x128xf32, #tpu.memory_space<vmem>> -> memref<125x128xf32, #tpu.memory_space<vmem>>
      %dma_start3A_67 = arith.constant 0 : i32
      %dma_start3A_68 = tpu.memref_slice %arg6[%add3A_60, %dma_start3A_67] : memref<150000x128xf32, #tpu.memory_space<hbm>> -> memref<125x128xf32, #tpu.memory_space<hbm>>
      %dma_start3A_69 = tpu.memref_slice %arg17[%dma_start3A_62] : memref<3x!tpu.dma_semaphore, #tpu.memory_space<semaphore_mem>> -> memref<1x!tpu.dma_semaphore, #tpu.memory_space<semaphore_mem>>
      %dma_start3A_70 = tpu.memref_squeeze %dma_start3A_69 : memref<1x!tpu.dma_semaphore, #tpu.memory_space<semaphore_mem>> -> memref<!tpu.dma_semaphore, #tpu.memory_space<semaphore_mem>>
      %dma_start3A_71 = arith.constant 0 : i32
      %dma_start3A_72 = arith.constant 0 : i32
      %dma_start3A_73 = tpu.memref_slice %arg16[%dma_start3A_61, %dma_start3A_71, %dma_start3A_72] : memref<3x125x128xf32, #tpu.memory_space<vmem>> -> memref<1x125x128xf32, #tpu.memory_space<vmem>>
      %dma_start3A_74 = tpu.memref_squeeze %dma_start3A_73 : memref<1x125x128xf32, #tpu.memory_space<vmem>> -> memref<125x128xf32, #tpu.memory_space<vmem>>
      %dma_start3A_75 = arith.constant 0 : i32
      %dma_start3A_76 = tpu.memref_slice %arg6[%add3A_60, %dma_start3A_75] : memref<150000x128xf32, #tpu.memory_space<hbm>> -> memref<125x128xf32, #tpu.memory_space<hbm>>
      tpu.enqueue_dma source(%dma_start3A_76 : memref<125x128xf32, #tpu.memory_space<hbm>>) target(%dma_start3A_74 : memref<125x128xf32, #tpu.memory_space<vmem>>) target_semaphore(%dma_start3A_70 : memref<!tpu.dma_semaphore, #tpu.memory_space<semaphore_mem>>)
      %mul3A_77 = arith.constant 9375 : i32
      %mul3A_78 = arith.muli %arg1, %mul3A_77 : i32
      %add3A_79 = arith.constant 250 : i32
      %add3A_80 = arith.addi %mul3A_78, %add3A_79 : i32
      %dma_start3A_81 = arith.constant 2 : i32
      %dma_start3A_82 = arith.constant 2 : i32
      %dma_start3A_83 = arith.constant 0 : i32
      %dma_start3A_84 = arith.constant 0 : i32
      %dma_start3A_85 = tpu.memref_slice %arg16[%dma_start3A_81, %dma_start3A_83, %dma_start3A_84] : memref<3x125x128xf32, #tpu.memory_space<vmem>> -> memref<1x125x128xf32, #tpu.memory_space<vmem>>
      %dma_start3A_86 = tpu.memref_squeeze %dma_start3A_85 : memref<1x125x128xf32, #tpu.memory_space<vmem>> -> memref<125x128xf32, #tpu.memory_space<vmem>>
      %dma_start3A_87 = arith.constant 0 : i32
      %dma_start3A_88 = tpu.memref_slice %arg6[%add3A_80, %dma_start3A_87] : memref<150000x128xf32, #tpu.memory_space<hbm>> -> memref<125x128xf32, #tpu.memory_space<hbm>>
      %dma_start3A_89 = tpu.memref_slice %arg17[%dma_start3A_82] : memref<3x!tpu.dma_semaphore, #tpu.memory_space<semaphore_mem>> -> memref<1x!tpu.dma_semaphore, #tpu.memory_space<semaphore_mem>>
      %dma_start3A_90 = tpu.memref_squeeze %dma_start3A_89 : memref<1x!tpu.dma_semaphore, #tpu.memory_space<semaphore_mem>> -> memref<!tpu.dma_semaphore, #tpu.memory_space<semaphore_mem>>
      %dma_start3A_91 = arith.constant 0 : i32
      %dma_start3A_92 = arith.constant 0 : i32
      %dma_start3A_93 = tpu.memref_slice %arg16[%dma_start3A_81, %dma_start3A_91, %dma_start3A_92] : memref<3x125x128xf32, #tpu.memory_space<vmem>> -> memref<1x125x128xf32, #tpu.memory_space<vmem>>
      %dma_start3A_94 = tpu.memref_squeeze %dma_start3A_93 : memref<1x125x128xf32, #tpu.memory_space<vmem>> -> memref<125x128xf32, #tpu.memory_space<vmem>>
      %dma_start3A_95 = arith.constant 0 : i32
      %dma_start3A_96 = tpu.memref_slice %arg6[%add3A_80, %dma_start3A_95] : memref<150000x128xf32, #tpu.memory_space<hbm>> -> memref<125x128xf32, #tpu.memory_space<hbm>>
      tpu.enqueue_dma source(%dma_start3A_96 : memref<125x128xf32, #tpu.memory_space<hbm>>) target(%dma_start3A_94 : memref<125x128xf32, #tpu.memory_space<vmem>>) target_semaphore(%dma_start3A_90 : memref<!tpu.dma_semaphore, #tpu.memory_space<semaphore_mem>>)
      "tpu.region"() ({
        %run_scoped3A = tpu.sem_alloc : memref<!tpu.dma_semaphore, #tpu.memory_space<semaphore_mem>>
        %dma_start3A_97 = arith.constant 0 : i32
        %dma_start3A_98 = arith.constant 0 : i32
        %dma_start3A_99 = tpu.memref_slice %arg7[%arg1, %dma_start3A_97, %dma_start3A_98] : memref<16x75x125xi32, #tpu.memory_space<hbm>> -> memref<1x75x125xi32, #tpu.memory_space<hbm>>
        %dma_start3A_100 = tpu.memref_squeeze %dma_start3A_99 : memref<1x75x125xi32, #tpu.memory_space<hbm>> -> memref<75x125xi32, #tpu.memory_space<hbm>>
        %dma_start3A_101 = arith.constant 0 : i32
        %dma_start3A_102 = arith.constant 0 : i32
        %dma_start3A_103 = tpu.memref_slice %arg7[%arg1, %dma_start3A_101, %dma_start3A_102] : memref<16x75x125xi32, #tpu.memory_space<hbm>> -> memref<1x75x125xi32, #tpu.memory_space<hbm>>
        %dma_start3A_104 = tpu.memref_squeeze %dma_start3A_103 : memref<1x75x125xi32, #tpu.memory_space<hbm>> -> memref<75x125xi32, #tpu.memory_space<hbm>>
        tpu.enqueue_dma source(%dma_start3A_104 : memref<75x125xi32, #tpu.memory_space<hbm>>) target(%arg14 : memref<75x125xi32, #tpu.memory_space<vmem>>) target_semaphore(%run_scoped3A : memref<!tpu.dma_semaphore, #tpu.memory_space<semaphore_mem>>)
        %dma_wait3A = arith.constant 0 : i32
        %dma_wait3A_105 = arith.constant 0 : i32
        %dma_wait3A_106 = tpu.memref_slice %arg7[%arg1, %dma_wait3A, %dma_wait3A_105] : memref<16x75x125xi32, #tpu.memory_space<hbm>> -> memref<1x75x125xi32, #tpu.memory_space<hbm>>
        %dma_wait3A_107 = tpu.memref_squeeze %dma_wait3A_106 : memref<1x75x125xi32, #tpu.memory_space<hbm>> -> memref<75x125xi32, #tpu.memory_space<hbm>>
        %dma_wait3A_108 = arith.constant 0 : i32
        %dma_wait3A_109 = arith.constant 0 : i32
        %dma_wait3A_110 = tpu.memref_slice %arg7[%arg1, %dma_wait3A_108, %dma_wait3A_109] : memref<16x75x125xi32, #tpu.memory_space<hbm>> -> memref<1x75x125xi32, #tpu.memory_space<hbm>>
        %dma_wait3A_111 = tpu.memref_squeeze %dma_wait3A_110 : memref<1x75x125xi32, #tpu.memory_space<hbm>> -> memref<75x125xi32, #tpu.memory_space<hbm>>
        tpu.wait_dma2 semaphore(%run_scoped3A : memref<!tpu.dma_semaphore, #tpu.memory_space<semaphore_mem>>) src(%dma_wait3A_111 : memref<75x125xi32, #tpu.memory_space<hbm>>) dst(%arg14 : memref<75x125xi32, #tpu.memory_space<vmem>>)
        tpu.yield
      }) : () -> ()
      "tpu.region"() ({
        %run_scoped3A = tpu.sem_alloc : memref<!tpu.dma_semaphore, #tpu.memory_space<semaphore_mem>>
        %dma_start3A_97 = arith.constant 0 : i32
        %dma_start3A_98 = arith.constant 0 : i32
        %dma_start3A_99 = tpu.memref_slice %arg9[%arg1, %dma_start3A_97, %dma_start3A_98] : memref<16x75x125xi32, #tpu.memory_space<hbm>> -> memref<1x75x125xi32, #tpu.memory_space<hbm>>
        %dma_start3A_100 = tpu.memref_squeeze %dma_start3A_99 : memref<1x75x125xi32, #tpu.memory_space<hbm>> -> memref<75x125xi32, #tpu.memory_space<hbm>>
        %dma_start3A_101 = arith.constant 0 : i32
        %dma_start3A_102 = arith.constant 0 : i32
        %dma_start3A_103 = tpu.memref_slice %arg9[%arg1, %dma_start3A_101, %dma_start3A_102] : memref<16x75x125xi32, #tpu.memory_space<hbm>> -> memref<1x75x125xi32, #tpu.memory_space<hbm>>
        %dma_start3A_104 = tpu.memref_squeeze %dma_start3A_103 : memref<1x75x125xi32, #tpu.memory_space<hbm>> -> memref<75x125xi32, #tpu.memory_space<hbm>>
        tpu.enqueue_dma source(%dma_start3A_104 : memref<75x125xi32, #tpu.memory_space<hbm>>) target(%arg15 : memref<75x125xi32, #tpu.memory_space<vmem>>) target_semaphore(%run_scoped3A : memref<!tpu.dma_semaphore, #tpu.memory_space<semaphore_mem>>)
        %dma_wait3A = arith.constant 0 : i32
        %dma_wait3A_105 = arith.constant 0 : i32
        %dma_wait3A_106 = tpu.memref_slice %arg9[%arg1, %dma_wait3A, %dma_wait3A_105] : memref<16x75x125xi32, #tpu.memory_space<hbm>> -> memref<1x75x125xi32, #tpu.memory_space<hbm>>
        %dma_wait3A_107 = tpu.memref_squeeze %dma_wait3A_106 : memref<1x75x125xi32, #tpu.memory_space<hbm>> -> memref<75x125xi32, #tpu.memory_space<hbm>>
        %dma_wait3A_108 = arith.constant 0 : i32
        %dma_wait3A_109 = arith.constant 0 : i32
        %dma_wait3A_110 = tpu.memref_slice %arg9[%arg1, %dma_wait3A_108, %dma_wait3A_109] : memref<16x75x125xi32, #tpu.memory_space<hbm>> -> memref<1x75x125xi32, #tpu.memory_space<hbm>>
        %dma_wait3A_111 = tpu.memref_squeeze %dma_wait3A_110 : memref<1x75x125xi32, #tpu.memory_space<hbm>> -> memref<75x125xi32, #tpu.memory_space<hbm>>
        tpu.wait_dma2 semaphore(%run_scoped3A : memref<!tpu.dma_semaphore, #tpu.memory_space<semaphore_mem>>) src(%dma_wait3A_111 : memref<75x125xi32, #tpu.memory_space<hbm>>) dst(%arg15 : memref<75x125xi32, #tpu.memory_space<vmem>>)
        tpu.yield
      }) : () -> ()
    } else {
    }
    %scan3A = arith.constant 0 : i32
    %scan3A_7 = arith.constant 1000 : i32
    %scan3A_8 = arith.addi %scan3A, %scan3A_7 : i32
    %scan3A_9 = arith.constant 1 : i32
    scf.for %scan3A_40 = %scan3A to %scan3A_8 step %scan3A_9  : i32 {
      %jit3A = arith.constant 8 : i32
      %div3A = arith.divsi %scan3A_40, %jit3A : i32
      %sign3A = arith.constant 0 : i32
      %sign3A_41 = arith.cmpi sgt, %scan3A_40, %sign3A : i32
      %sign3A_42 = arith.extui %sign3A_41 : i1 to i32
      %sign3A_43 = arith.constant 0 : i32
      %sign3A_44 = arith.cmpi slt, %scan3A_40, %sign3A_43 : i32
      %sign3A_45 = arith.extui %sign3A_44 : i1 to i32
      %sign3A_46 = arith.subi %sign3A_42, %sign3A_45 : i32
      %sign3A_47 = arith.constant 0 : i32
      %sign3A_48 = arith.cmpi sgt, %jit3A, %sign3A_47 : i32
      %sign3A_49 = arith.extui %sign3A_48 : i1 to i32
      %sign3A_50 = arith.constant 0 : i32
      %sign3A_51 = arith.cmpi slt, %jit3A, %sign3A_50 : i32
      %sign3A_52 = arith.extui %sign3A_51 : i1 to i32
      %sign3A_53 = arith.subi %sign3A_49, %sign3A_52 : i32
      %ne3A = arith.cmpi ne, %sign3A_46, %sign3A_53 : i32
      %rem3A = arith.remsi %scan3A_40, %jit3A : i32
      %ne3A_54 = arith.constant 0 : i32
      %ne3A_55 = arith.cmpi ne, %rem3A, %ne3A_54 : i32
      %and3A = arith.andi %ne3A, %ne3A_55 : i1
      %sub3A = arith.constant 1 : i32
      %sub3A_56 = arith.subi %div3A, %sub3A : i32
      %select_n3A = arith.select %and3A, %sub3A_56, %div3A : i32
      %jit3A_57 = arith.constant 8 : i32
      %eq3A_58 = arith.constant 0 : i32
      %eq3A_59 = arith.cmpi eq, %jit3A_57, %eq3A_58 : i32
      %jit3A_60 = arith.constant 1 : i32
      %select_n3A_61 = arith.select %eq3A_59, %jit3A_60, %jit3A_57 : i32
      %rem3A_62 = arith.remsi %scan3A_40, %select_n3A_61 : i32
      %ne3A_63 = arith.constant 0 : i32
      %ne3A_64 = arith.cmpi ne, %rem3A_62, %ne3A_63 : i32
      %lt3A_65 = arith.constant 0 : i32
      %lt3A_66 = arith.cmpi slt, %rem3A_62, %lt3A_65 : i32
      %lt3A_67 = arith.constant 0 : i32
      %lt3A_68 = arith.cmpi slt, %select_n3A_61, %lt3A_67 : i32
      %ne3A_69 = arith.xori %lt3A_66, %lt3A_68 : i1
      %and3A_70 = arith.andi %ne3A_69, %ne3A_64 : i1
      %add3A = arith.addi %rem3A_62, %select_n3A_61 : i32
      %select_n3A_71 = arith.select %and3A_70, %add3A, %rem3A_62 : i32
      %mul3A = arith.constant 16 : i32
      %mul3A_72 = arith.muli %select_n3A_71, %mul3A : i32
      %broadcast_in_dim3A = arith.constant 0.000000e+00 : f32
      %broadcast_in_dim3A_73 = vector.broadcast %broadcast_in_dim3A : f32 to vector<16xf32>
      %swap3A = arith.index_cast %select_n3A : i32 to index
      %swap3A_74 = arith.index_cast %mul3A_72 : i32 to index
      %swap3A_75 = tpu.vector_load %arg13[%swap3A, %swap3A_74] {strides = array<i32>} : memref<125x128xf32, #tpu.memory_space<vmem>>, vector<1x16xf32>,
      %swap3A_76 = vector.shape_cast %swap3A_75 : vector<1x16xf32> to vector<16xf32>
      %swap3A_77 = vector.shape_cast %broadcast_in_dim3A_73 : vector<16xf32> to vector<1x16xf32>
      tpu.vector_store %arg13[%swap3A, %swap3A_74], %swap3A_77 {strides = array<i32>} : memref<125x128xf32, #tpu.memory_space<vmem>>, vector<1x16xf32>,
    }
    %scan3A_10 = arith.constant 1000 : i32
    %lt3A = arith.constant 8 : i32
    %lt3A_11 = arith.cmpi slt, %arg1, %lt3A : i32
    %convert_element_type3A_12 = arith.extui %lt3A_11 : i1 to i32
    %cond3A_13 = arith.constant 0 : i32
    %cond3A_14 = arith.cmpi ne, %convert_element_type3A_12, %cond3A_13 : i32
    scf.if %cond3A_14 {
      %mul3A = arith.constant 125 : i32
      %mul3A_40 = arith.muli %arg1, %mul3A : i32
      "tpu.region"() ({
        %run_scoped3A = tpu.sem_alloc : memref<!tpu.dma_semaphore, #tpu.memory_space<semaphore_mem>>
        %dma_start3A = arith.constant 0 : i32
        %dma_start3A_41 = tpu.memref_slice %arg11[%mul3A_40, %dma_start3A] : memref<1000x128xf32, #tpu.memory_space<vmem_shared>> -> memref<125x128xf32, #tpu.memory_space<vmem_shared>>
        %dma_start3A_42 = arith.constant 0 : i32
        %dma_start3A_43 = tpu.memref_slice %arg11[%mul3A_40, %dma_start3A_42] : memref<1000x128xf32, #tpu.memory_space<vmem_shared>> -> memref<125x128xf32, #tpu.memory_space<vmem_shared>>
        tpu.enqueue_dma source(%arg13 : memref<125x128xf32, #tpu.memory_space<vmem>>) target(%dma_start3A_43 : memref<125x128xf32, #tpu.memory_space<vmem_shared>>) target_semaphore(%run_scoped3A : memref<!tpu.dma_semaphore, #tpu.memory_space<semaphore_mem>>)
        %dma_wait3A = arith.constant 0 : i32
        %dma_wait3A_44 = tpu.memref_slice %arg11[%mul3A_40, %dma_wait3A] : memref<1000x128xf32, #tpu.memory_space<vmem_shared>> -> memref<125x128xf32, #tpu.memory_space<vmem_shared>>
        %dma_wait3A_45 = arith.constant 0 : i32
        %dma_wait3A_46 = tpu.memref_slice %arg11[%mul3A_40, %dma_wait3A_45] : memref<1000x128xf32, #tpu.memory_space<vmem_shared>> -> memref<125x128xf32, #tpu.memory_space<vmem_shared>>
        tpu.wait_dma2 semaphore(%run_scoped3A : memref<!tpu.dma_semaphore, #tpu.memory_space<semaphore_mem>>) src(%arg13 : memref<125x128xf32, #tpu.memory_space<vmem>>) dst(%dma_wait3A_46 : memref<125x128xf32, #tpu.memory_space<vmem_shared>>)
        tpu.yield
      }) : () -> ()
    } else {
    }
    %ge3A = arith.constant 8 : i32
    %ge3A_15 = arith.cmpi sge, %arg1, %ge3A : i32
    %convert_element_type3A_16 = arith.extui %ge3A_15 : i1 to i32
    %cond3A_17 = arith.constant 0 : i32
    %cond3A_18 = arith.cmpi ne, %convert_element_type3A_16, %cond3A_17 : i32
    scf.if %cond3A_18 {
      %sub3A = arith.constant 8 : i32
      %sub3A_40 = arith.subi %arg1, %sub3A : i32
      %mul3A = arith.constant 125 : i32
      %mul3A_41 = arith.muli %sub3A_40, %mul3A : i32
      "tpu.region"() ({
        %run_scoped3A = tpu.sem_alloc : memref<!tpu.dma_semaphore, #tpu.memory_space<semaphore_mem>>
        %dma_start3A = arith.constant 0 : i32
        %dma_start3A_42 = tpu.memref_slice %arg12[%mul3A_41, %dma_start3A] : memref<1000x128xf32, #tpu.memory_space<vmem_shared>> -> memref<125x128xf32, #tpu.memory_space<vmem_shared>>
        %dma_start3A_43 = arith.constant 0 : i32
        %dma_start3A_44 = tpu.memref_slice %arg12[%mul3A_41, %dma_start3A_43] : memref<1000x128xf32, #tpu.memory_space<vmem_shared>> -> memref<125x128xf32, #tpu.memory_space<vmem_shared>>
        tpu.enqueue_dma source(%arg13 : memref<125x128xf32, #tpu.memory_space<vmem>>) target(%dma_start3A_44 : memref<125x128xf32, #tpu.memory_space<vmem_shared>>) target_semaphore(%run_scoped3A : memref<!tpu.dma_semaphore, #tpu.memory_space<semaphore_mem>>)
        %dma_wait3A = arith.constant 0 : i32
        %dma_wait3A_45 = tpu.memref_slice %arg12[%mul3A_41, %dma_wait3A] : memref<1000x128xf32, #tpu.memory_space<vmem_shared>> -> memref<125x128xf32, #tpu.memory_space<vmem_shared>>
        %dma_wait3A_46 = arith.constant 0 : i32
        %dma_wait3A_47 = tpu.memref_slice %arg12[%mul3A_41, %dma_wait3A_46] : memref<1000x128xf32, #tpu.memory_space<vmem_shared>> -> memref<125x128xf32, #tpu.memory_space<vmem_shared>>
        tpu.wait_dma2 semaphore(%run_scoped3A : memref<!tpu.dma_semaphore, #tpu.memory_space<semaphore_mem>>) src(%arg13 : memref<125x128xf32, #tpu.memory_space<vmem>>) dst(%dma_wait3A_47 : memref<125x128xf32, #tpu.memory_space<vmem_shared>>)
        tpu.yield
      }) : () -> ()
    } else {
    }
    %barrier3A = arith.constant 0 : index
    tpu.barrier barrier_id(%barrier3A)
    %eq3A_19 = arith.constant 0 : i32
    %eq3A_20 = arith.cmpi eq, %arg0, %eq3A_19 : i32
    %convert_element_type3A_21 = arith.extui %eq3A_20 : i1 to i32
    %cond3A_22 = arith.constant 0 : i32
    %cond3A_23 = arith.cmpi ne, %convert_element_type3A_21, %cond3A_22 : i32
    scf.if %cond3A_23 {
      %scan3A_40 = arith.constant 0 : i32
      %scan3A_41 = arith.constant 25 : i32
      %scan3A_42 = arith.addi %scan3A_40, %scan3A_41 : i32
      %scan3A_43 = arith.constant 1 : i32
      scf.for %scan3A_50 = %scan3A_40 to %scan3A_42 step %scan3A_43  : i32 {
        %mul3A = arith.constant 3 : i32
        %mul3A_51 = arith.muli %scan3A_50, %mul3A : i32
        %add3A = arith.constant 0 : i32
        %add3A_52 = arith.addi %mul3A_51, %add3A : i32
        %mul3A_53 = arith.constant 9375 : i32
        %mul3A_54 = arith.muli %arg1, %mul3A_53 : i32
        %mul3A_55 = arith.constant 125 : i32
        %mul3A_56 = arith.muli %add3A_52, %mul3A_55 : i32
        %add3A_57 = arith.addi %mul3A_54, %mul3A_56 : i32
        %dma_wait3A = arith.constant 0 : i32
        %dma_wait3A_58 = arith.constant 0 : i32
        %dma_wait3A_59 = arith.constant 0 : i32
        %dma_wait3A_60 = arith.constant 0 : i32
        %dma_wait3A_61 = tpu.memref_slice %arg16[%dma_wait3A, %dma_wait3A_59, %dma_wait3A_60] : memref<3x125x128xf32, #tpu.memory_space<vmem>> -> memref<1x125x128xf32, #tpu.memory_space<vmem>>
        %dma_wait3A_62 = tpu.memref_squeeze %dma_wait3A_61 : memref<1x125x128xf32, #tpu.memory_space<vmem>> -> memref<125x128xf32, #tpu.memory_space<vmem>>
        %dma_wait3A_63 = arith.constant 0 : i32
        %dma_wait3A_64 = tpu.memref_slice %arg2[%add3A_57, %dma_wait3A_63] : memref<150000x128xf32, #tpu.memory_space<hbm>> -> memref<125x128xf32, #tpu.memory_space<hbm>>
        %dma_wait3A_65 = tpu.memref_slice %arg17[%dma_wait3A_58] : memref<3x!tpu.dma_semaphore, #tpu.memory_space<semaphore_mem>> -> memref<1x!tpu.dma_semaphore, #tpu.memory_space<semaphore_mem>>
        %dma_wait3A_66 = tpu.memref_squeeze %dma_wait3A_65 : memref<1x!tpu.dma_semaphore, #tpu.memory_space<semaphore_mem>> -> memref<!tpu.dma_semaphore, #tpu.memory_space<semaphore_mem>>
        %dma_wait3A_67 = arith.constant 0 : i32
        %dma_wait3A_68 = arith.constant 0 : i32
        %dma_wait3A_69 = tpu.memref_slice %arg16[%dma_wait3A, %dma_wait3A_67, %dma_wait3A_68] : memref<3x125x128xf32, #tpu.memory_space<vmem>> -> memref<1x125x128xf32, #tpu.memory_space<vmem>>
        %dma_wait3A_70 = tpu.memref_squeeze %dma_wait3A_69 : memref<1x125x128xf32, #tpu.memory_space<vmem>> -> memref<125x128xf32, #tpu.memory_space<vmem>>
        %dma_wait3A_71 = arith.constant 0 : i32
        %dma_wait3A_72 = tpu.memref_slice %arg2[%add3A_57, %dma_wait3A_71] : memref<150000x128xf32, #tpu.memory_space<hbm>> -> memref<125x128xf32, #tpu.memory_space<hbm>>
        tpu.wait_dma2 semaphore(%dma_wait3A_66 : memref<!tpu.dma_semaphore, #tpu.memory_space<semaphore_mem>>) src(%dma_wait3A_72 : memref<125x128xf32, #tpu.memory_space<hbm>>) dst(%dma_wait3A_70 : memref<125x128xf32, #tpu.memory_space<vmem>>)
        %run_scoped3A = arith.constant 0 : i32
        "tpu.region"() ({
          %run_scoped3A_155 = tpu.sem_alloc : memref<!tpu.dma_semaphore, #tpu.memory_space<semaphore_mem>>
          %dma_start3A = arith.constant 0 : i32
          %dma_start3A_156 = arith.constant 0 : i32
          %dma_start3A_157 = tpu.memref_slice %arg16[%run_scoped3A, %dma_start3A, %dma_start3A_156] : memref<3x125x128xf32, #tpu.memory_space<vmem>> -> memref<1x125x128xf32, #tpu.memory_space<vmem>>
          %dma_start3A_158 = tpu.memref_squeeze %dma_start3A_157 : memref<1x125x128xf32, #tpu.memory_space<vmem>> -> memref<125x128xf32, #tpu.memory_space<vmem>>
          %dma_start3A_159 = arith.constant 0 : i32
          %dma_start3A_160 = tpu.memref_slice %arg14[%add3A_52, %dma_start3A_159] : memref<75x125xi32, #tpu.memory_space<vmem>> -> memref<1x125xi32, #tpu.memory_space<vmem>>
          %dma_start3A_161 = tpu.memref_squeeze %dma_start3A_160 : memref<1x125xi32, #tpu.memory_space<vmem>> -> memref<125xi32, #tpu.memory_space<vmem>>
          %dma_start3A_162 = arith.constant 0 : i32
          %dma_start3A_163 = arith.constant 0 : i32
          %dma_start3A_164 = tpu.memref_slice %arg11[%dma_start3A_162, %dma_start3A_163] : memref<1000x128xf32, #tpu.memory_space<vmem_shared>> -> memref<1000x128xf32, #tpu.memory_space<vmem_shared>>
          tpu.enqueue_indirect_dma source(%dma_start3A_158 : memref<125x128xf32, #tpu.memory_space<vmem>>) target(%dma_start3A_164 : memref<1000x128xf32, #tpu.memory_space<vmem_shared>>) offsets(%dma_start3A_161 : memref<125xi32, #tpu.memory_space<vmem>>) semaphore(%run_scoped3A_155 : memref<!tpu.dma_semaphore, #tpu.memory_space<semaphore_mem>>) {add = true}
          %dma_wait3A_165 = arith.constant 0 : i32
          %dma_wait3A_166 = arith.constant 0 : i32
          %dma_wait3A_167 = tpu.memref_slice %arg16[%run_scoped3A, %dma_wait3A_165, %dma_wait3A_166] : memref<3x125x128xf32, #tpu.memory_space<vmem>> -> memref<1x125x128xf32, #tpu.memory_space<vmem>>
          %dma_wait3A_168 = tpu.memref_squeeze %dma_wait3A_167 : memref<1x125x128xf32, #tpu.memory_space<vmem>> -> memref<125x128xf32, #tpu.memory_space<vmem>>
          %dma_wait3A_169 = arith.constant 0 : i32
          %dma_wait3A_170 = tpu.memref_slice %arg14[%add3A_52, %dma_wait3A_169] : memref<75x125xi32, #tpu.memory_space<vmem>> -> memref<1x125xi32, #tpu.memory_space<vmem>>
          %dma_wait3A_171 = tpu.memref_squeeze %dma_wait3A_170 : memref<1x125xi32, #tpu.memory_space<vmem>> -> memref<125xi32, #tpu.memory_space<vmem>>
          %dma_wait3A_172 = arith.constant 0 : i32
          %dma_wait3A_173 = arith.constant 0 : i32
          %dma_wait3A_174 = tpu.memref_slice %arg11[%dma_wait3A_172, %dma_wait3A_173] : memref<1000x128xf32, #tpu.memory_space<vmem_shared>> -> memref<1000x128xf32, #tpu.memory_space<vmem_shared>>
          tpu.wait_indirect_dma semaphore(%run_scoped3A_155 : memref<!tpu.dma_semaphore, #tpu.memory_space<semaphore_mem>>) src(%dma_wait3A_168 : memref<125x128xf32, #tpu.memory_space<vmem>>) dst(%dma_wait3A_174 : memref<1000x128xf32, #tpu.memory_space<vmem_shared>>)
          tpu.yield
        }) : () -> ()
        %lt3A_73 = arith.constant 24 : i32
        %lt3A_74 = arith.cmpi slt, %scan3A_50, %lt3A_73 : i32
        %convert_element_type3A_75 = arith.extui %lt3A_74 : i1 to i32
        %cond3A_76 = arith.constant 0 : i32
        %cond3A_77 = arith.cmpi ne, %convert_element_type3A_75, %cond3A_76 : i32
        scf.if %cond3A_77 {
          %add3A_155 = arith.constant 3 : i32
          %add3A_156 = arith.addi %add3A_52, %add3A_155 : i32
          %mul3A_157 = arith.constant 9375 : i32
          %mul3A_158 = arith.muli %arg1, %mul3A_157 : i32
          %mul3A_159 = arith.constant 125 : i32
          %mul3A_160 = arith.muli %add3A_156, %mul3A_159 : i32
          %add3A_161 = arith.addi %mul3A_158, %mul3A_160 : i32
          %dma_start3A = arith.constant 0 : i32
          %dma_start3A_162 = arith.constant 0 : i32
          %dma_start3A_163 = arith.constant 0 : i32
          %dma_start3A_164 = arith.constant 0 : i32
          %dma_start3A_165 = tpu.memref_slice %arg16[%dma_start3A, %dma_start3A_163, %dma_start3A_164] : memref<3x125x128xf32, #tpu.memory_space<vmem>> -> memref<1x125x128xf32, #tpu.memory_space<vmem>>
          %dma_start3A_166 = tpu.memref_squeeze %dma_start3A_165 : memref<1x125x128xf32, #tpu.memory_space<vmem>> -> memref<125x128xf32, #tpu.memory_space<vmem>>
          %dma_start3A_167 = arith.constant 0 : i32
          %dma_start3A_168 = tpu.memref_slice %arg2[%add3A_161, %dma_start3A_167] : memref<150000x128xf32, #tpu.memory_space<hbm>> -> memref<125x128xf32, #tpu.memory_space<hbm>>
          %dma_start3A_169 = tpu.memref_slice %arg17[%dma_start3A_162] : memref<3x!tpu.dma_semaphore, #tpu.memory_space<semaphore_mem>> -> memref<1x!tpu.dma_semaphore, #tpu.memory_space<semaphore_mem>>
          %dma_start3A_170 = tpu.memref_squeeze %dma_start3A_169 : memref<1x!tpu.dma_semaphore, #tpu.memory_space<semaphore_mem>> -> memref<!tpu.dma_semaphore, #tpu.memory_space<semaphore_mem>>
          %dma_start3A_171 = arith.constant 0 : i32
          %dma_start3A_172 = arith.constant 0 : i32
          %dma_start3A_173 = tpu.memref_slice %arg16[%dma_start3A, %dma_start3A_171, %dma_start3A_172] : memref<3x125x128xf32, #tpu.memory_space<vmem>> -> memref<1x125x128xf32, #tpu.memory_space<vmem>>
          %dma_start3A_174 = tpu.memref_squeeze %dma_start3A_173 : memref<1x125x128xf32, #tpu.memory_space<vmem>> -> memref<125x128xf32, #tpu.memory_space<vmem>>
          %dma_start3A_175 = arith.constant 0 : i32
          %dma_start3A_176 = tpu.memref_slice %arg2[%add3A_161, %dma_start3A_175] : memref<150000x128xf32, #tpu.memory_space<hbm>> -> memref<125x128xf32, #tpu.memory_space<hbm>>
          tpu.enqueue_dma source(%dma_start3A_176 : memref<125x128xf32, #tpu.memory_space<hbm>>) target(%dma_start3A_174 : memref<125x128xf32, #tpu.memory_space<vmem>>) target_semaphore(%dma_start3A_170 : memref<!tpu.dma_semaphore, #tpu.memory_space<semaphore_mem>>)
        } else {
        }
        %eq3A_78 = arith.constant 24 : i32
        %eq3A_79 = arith.cmpi eq, %scan3A_50, %eq3A_78 : i32
        %convert_element_type3A_80 = arith.extui %eq3A_79 : i1 to i32
        %cond3A_81 = arith.constant 0 : i32
        %cond3A_82 = arith.cmpi ne, %convert_element_type3A_80, %cond3A_81 : i32
        scf.if %cond3A_82 {
          %mul3A_155 = arith.constant 9375 : i32
          %mul3A_156 = arith.muli %arg1, %mul3A_155 : i32
          %add3A_157 = arith.constant 0 : i32
          %add3A_158 = arith.addi %mul3A_156, %add3A_157 : i32
          %dma_start3A = arith.constant 0 : i32
          %dma_start3A_159 = arith.constant 0 : i32
          %dma_start3A_160 = arith.constant 0 : i32
          %dma_start3A_161 = arith.constant 0 : i32
          %dma_start3A_162 = tpu.memref_slice %arg16[%dma_start3A, %dma_start3A_160, %dma_start3A_161] : memref<3x125x128xf32, #tpu.memory_space<vmem>> -> memref<1x125x128xf32, #tpu.memory_space<vmem>>
          %dma_start3A_163 = tpu.memref_squeeze %dma_start3A_162 : memref<1x125x128xf32, #tpu.memory_space<vmem>> -> memref<125x128xf32, #tpu.memory_space<vmem>>
          %dma_start3A_164 = arith.constant 0 : i32
          %dma_start3A_165 = tpu.memref_slice %arg4[%add3A_158, %dma_start3A_164] : memref<150000x128xf32, #tpu.memory_space<hbm>> -> memref<125x128xf32, #tpu.memory_space<hbm>>
          %dma_start3A_166 = tpu.memref_slice %arg17[%dma_start3A_159] : memref<3x!tpu.dma_semaphore, #tpu.memory_space<semaphore_mem>> -> memref<1x!tpu.dma_semaphore, #tpu.memory_space<semaphore_mem>>
          %dma_start3A_167 = tpu.memref_squeeze %dma_start3A_166 : memref<1x!tpu.dma_semaphore, #tpu.memory_space<semaphore_mem>> -> memref<!tpu.dma_semaphore, #tpu.memory_space<semaphore_mem>>
          %dma_start3A_168 = arith.constant 0 : i32
          %dma_start3A_169 = arith.constant 0 : i32
          %dma_start3A_170 = tpu.memref_slice %arg16[%dma_start3A, %dma_start3A_168, %dma_start3A_169] : memref<3x125x128xf32, #tpu.memory_space<vmem>> -> memref<1x125x128xf32, #tpu.memory_space<vmem>>
          %dma_start3A_171 = tpu.memref_squeeze %dma_start3A_170 : memref<1x125x128xf32, #tpu.memory_space<vmem>> -> memref<125x128xf32, #tpu.memory_space<vmem>>
          %dma_start3A_172 = arith.constant 0 : i32
          %dma_start3A_173 = tpu.memref_slice %arg4[%add3A_158, %dma_start3A_172] : memref<150000x128xf32, #tpu.memory_space<hbm>> -> memref<125x128xf32, #tpu.memory_space<hbm>>
          tpu.enqueue_dma source(%dma_start3A_173 : memref<125x128xf32, #tpu.memory_space<hbm>>) target(%dma_start3A_171 : memref<125x128xf32, #tpu.memory_space<vmem>>) target_semaphore(%dma_start3A_167 : memref<!tpu.dma_semaphore, #tpu.memory_space<semaphore_mem>>)
        } else {
        }
        %mul3A_83 = arith.constant 3 : i32
        %mul3A_84 = arith.muli %scan3A_50, %mul3A_83 : i32
        %add3A_85 = arith.constant 1 : i32
        %add3A_86 = arith.addi %mul3A_84, %add3A_85 : i32
        %mul3A_87 = arith.constant 9375 : i32
        %mul3A_88 = arith.muli %arg1, %mul3A_87 : i32
        %mul3A_89 = arith.constant 125 : i32
        %mul3A_90 = arith.muli %add3A_86, %mul3A_89 : i32
        %add3A_91 = arith.addi %mul3A_88, %mul3A_90 : i32
        %dma_wait3A_92 = arith.constant 1 : i32
        %dma_wait3A_93 = arith.constant 1 : i32
        %dma_wait3A_94 = arith.constant 0 : i32
        %dma_wait3A_95 = arith.constant 0 : i32
        %dma_wait3A_96 = tpu.memref_slice %arg16[%dma_wait3A_92, %dma_wait3A_94, %dma_wait3A_95] : memref<3x125x128xf32, #tpu.memory_space<vmem>> -> memref<1x125x128xf32, #tpu.memory_space<vmem>>
        %dma_wait3A_97 = tpu.memref_squeeze %dma_wait3A_96 : memref<1x125x128xf32, #tpu.memory_space<vmem>> -> memref<125x128xf32, #tpu.memory_space<vmem>>
        %dma_wait3A_98 = arith.constant 0 : i32
        %dma_wait3A_99 = tpu.memref_slice %arg2[%add3A_91, %dma_wait3A_98] : memref<150000x128xf32, #tpu.memory_space<hbm>> -> memref<125x128xf32, #tpu.memory_space<hbm>>
        %dma_wait3A_100 = tpu.memref_slice %arg17[%dma_wait3A_93] : memref<3x!tpu.dma_semaphore, #tpu.memory_space<semaphore_mem>> -> memref<1x!tpu.dma_semaphore, #tpu.memory_space<semaphore_mem>>
        %dma_wait3A_101 = tpu.memref_squeeze %dma_wait3A_100 : memref<1x!tpu.dma_semaphore, #tpu.memory_space<semaphore_mem>> -> memref<!tpu.dma_semaphore, #tpu.memory_space<semaphore_mem>>
        %dma_wait3A_102 = arith.constant 0 : i32
        %dma_wait3A_103 = arith.constant 0 : i32
        %dma_wait3A_104 = tpu.memref_slice %arg16[%dma_wait3A_92, %dma_wait3A_102, %dma_wait3A_103] : memref<3x125x128xf32, #tpu.memory_space<vmem>> -> memref<1x125x128xf32, #tpu.memory_space<vmem>>
        %dma_wait3A_105 = tpu.memref_squeeze %dma_wait3A_104 : memref<1x125x128xf32, #tpu.memory_space<vmem>> -> memref<125x128xf32, #tpu.memory_space<vmem>>
        %dma_wait3A_106 = arith.constant 0 : i32
        %dma_wait3A_107 = tpu.memref_slice %arg2[%add3A_91, %dma_wait3A_106] : memref<150000x128xf32, #tpu.memory_space<hbm>> -> memref<125x128xf32, #tpu.memory_space<hbm>>
        tpu.wait_dma2 semaphore(%dma_wait3A_101 : memref<!tpu.dma_semaphore, #tpu.memory_space<semaphore_mem>>) src(%dma_wait3A_107 : memref<125x128xf32, #tpu.memory_space<hbm>>) dst(%dma_wait3A_105 : memref<125x128xf32, #tpu.memory_space<vmem>>)
        %run_scoped3A_108 = arith.constant 1 : i32
        "tpu.region"() ({
          %run_scoped3A_155 = tpu.sem_alloc : memref<!tpu.dma_semaphore, #tpu.memory_space<semaphore_mem>>
          %dma_start3A = arith.constant 0 : i32
          %dma_start3A_156 = arith.constant 0 : i32
          %dma_start3A_157 = tpu.memref_slice %arg16[%run_scoped3A_108, %dma_start3A, %dma_start3A_156] : memref<3x125x128xf32, #tpu.memory_space<vmem>> -> memref<1x125x128xf32, #tpu.memory_space<vmem>>
          %dma_start3A_158 = tpu.memref_squeeze %dma_start3A_157 : memref<1x125x128xf32, #tpu.memory_space<vmem>> -> memref<125x128xf32, #tpu.memory_space<vmem>>
          %dma_start3A_159 = arith.constant 0 : i32
          %dma_start3A_160 = tpu.memref_slice %arg14[%add3A_86, %dma_start3A_159] : memref<75x125xi32, #tpu.memory_space<vmem>> -> memref<1x125xi32, #tpu.memory_space<vmem>>
          %dma_start3A_161 = tpu.memref_squeeze %dma_start3A_160 : memref<1x125xi32, #tpu.memory_space<vmem>> -> memref<125xi32, #tpu.memory_space<vmem>>
          %dma_start3A_162 = arith.constant 0 : i32
          %dma_start3A_163 = arith.constant 0 : i32
          %dma_start3A_164 = tpu.memref_slice %arg11[%dma_start3A_162, %dma_start3A_163] : memref<1000x128xf32, #tpu.memory_space<vmem_shared>> -> memref<1000x128xf32, #tpu.memory_space<vmem_shared>>
          tpu.enqueue_indirect_dma source(%dma_start3A_158 : memref<125x128xf32, #tpu.memory_space<vmem>>) target(%dma_start3A_164 : memref<1000x128xf32, #tpu.memory_space<vmem_shared>>) offsets(%dma_start3A_161 : memref<125xi32, #tpu.memory_space<vmem>>) semaphore(%run_scoped3A_155 : memref<!tpu.dma_semaphore, #tpu.memory_space<semaphore_mem>>) {add = true}
          %dma_wait3A_165 = arith.constant 0 : i32
          %dma_wait3A_166 = arith.constant 0 : i32
          %dma_wait3A_167 = tpu.memref_slice %arg16[%run_scoped3A_108, %dma_wait3A_165, %dma_wait3A_166] : memref<3x125x128xf32, #tpu.memory_space<vmem>> -> memref<1x125x128xf32, #tpu.memory_space<vmem>>
          %dma_wait3A_168 = tpu.memref_squeeze %dma_wait3A_167 : memref<1x125x128xf32, #tpu.memory_space<vmem>> -> memref<125x128xf32, #tpu.memory_space<vmem>>
          %dma_wait3A_169 = arith.constant 0 : i32
          %dma_wait3A_170 = tpu.memref_slice %arg14[%add3A_86, %dma_wait3A_169] : memref<75x125xi32, #tpu.memory_space<vmem>> -> memref<1x125xi32, #tpu.memory_space<vmem>>
          %dma_wait3A_171 = tpu.memref_squeeze %dma_wait3A_170 : memref<1x125xi32, #tpu.memory_space<vmem>> -> memref<125xi32, #tpu.memory_space<vmem>>
          %dma_wait3A_172 = arith.constant 0 : i32
          %dma_wait3A_173 = arith.constant 0 : i32
          %dma_wait3A_174 = tpu.memref_slice %arg11[%dma_wait3A_172, %dma_wait3A_173] : memref<1000x128xf32, #tpu.memory_space<vmem_shared>> -> memref<1000x128xf32, #tpu.memory_space<vmem_shared>>
          tpu.wait_indirect_dma semaphore(%run_scoped3A_155 : memref<!tpu.dma_semaphore, #tpu.memory_space<semaphore_mem>>) src(%dma_wait3A_168 : memref<125x128xf32, #tpu.memory_space<vmem>>) dst(%dma_wait3A_174 : memref<1000x128xf32, #tpu.memory_space<vmem_shared>>)
          tpu.yield
        }) : () -> ()
        %lt3A_109 = arith.constant 24 : i32
        %lt3A_110 = arith.cmpi slt, %scan3A_50, %lt3A_109 : i32
        %convert_element_type3A_111 = arith.extui %lt3A_110 : i1 to i32
        %cond3A_112 = arith.constant 0 : i32
        %cond3A_113 = arith.cmpi ne, %convert_element_type3A_111, %cond3A_112 : i32
        scf.if %cond3A_113 {
          %add3A_155 = arith.constant 3 : i32
          %add3A_156 = arith.addi %add3A_86, %add3A_155 : i32
          %mul3A_157 = arith.constant 9375 : i32
          %mul3A_158 = arith.muli %arg1, %mul3A_157 : i32
          %mul3A_159 = arith.constant 125 : i32
          %mul3A_160 = arith.muli %add3A_156, %mul3A_159 : i32
          %add3A_161 = arith.addi %mul3A_158, %mul3A_160 : i32
          %dma_start3A = arith.constant 1 : i32
          %dma_start3A_162 = arith.constant 1 : i32
          %dma_start3A_163 = arith.constant 0 : i32
          %dma_start3A_164 = arith.constant 0 : i32
          %dma_start3A_165 = tpu.memref_slice %arg16[%dma_start3A, %dma_start3A_163, %dma_start3A_164] : memref<3x125x128xf32, #tpu.memory_space<vmem>> -> memref<1x125x128xf32, #tpu.memory_space<vmem>>
          %dma_start3A_166 = tpu.memref_squeeze %dma_start3A_165 : memref<1x125x128xf32, #tpu.memory_space<vmem>> -> memref<125x128xf32, #tpu.memory_space<vmem>>
          %dma_start3A_167 = arith.constant 0 : i32
          %dma_start3A_168 = tpu.memref_slice %arg2[%add3A_161, %dma_start3A_167] : memref<150000x128xf32, #tpu.memory_space<hbm>> -> memref<125x128xf32, #tpu.memory_space<hbm>>
          %dma_start3A_169 = tpu.memref_slice %arg17[%dma_start3A_162] : memref<3x!tpu.dma_semaphore, #tpu.memory_space<semaphore_mem>> -> memref<1x!tpu.dma_semaphore, #tpu.memory_space<semaphore_mem>>
          %dma_start3A_170 = tpu.memref_squeeze %dma_start3A_169 : memref<1x!tpu.dma_semaphore, #tpu.memory_space<semaphore_mem>> -> memref<!tpu.dma_semaphore, #tpu.memory_space<semaphore_mem>>
          %dma_start3A_171 = arith.constant 0 : i32
          %dma_start3A_172 = arith.constant 0 : i32
          %dma_start3A_173 = tpu.memref_slice %arg16[%dma_start3A, %dma_start3A_171, %dma_start3A_172] : memref<3x125x128xf32, #tpu.memory_space<vmem>> -> memref<1x125x128xf32, #tpu.memory_space<vmem>>
          %dma_start3A_174 = tpu.memref_squeeze %dma_start3A_173 : memref<1x125x128xf32, #tpu.memory_space<vmem>> -> memref<125x128xf32, #tpu.memory_space<vmem>>
          %dma_start3A_175 = arith.constant 0 : i32
          %dma_start3A_176 = tpu.memref_slice %arg2[%add3A_161, %dma_start3A_175] : memref<150000x128xf32, #tpu.memory_space<hbm>> -> memref<125x128xf32, #tpu.memory_space<hbm>>
          tpu.enqueue_dma source(%dma_start3A_176 : memref<125x128xf32, #tpu.memory_space<hbm>>) target(%dma_start3A_174 : memref<125x128xf32, #tpu.memory_space<vmem>>) target_semaphore(%dma_start3A_170 : memref<!tpu.dma_semaphore, #tpu.memory_space<semaphore_mem>>)
        } else {
        }
        %eq3A_114 = arith.constant 24 : i32
        %eq3A_115 = arith.cmpi eq, %scan3A_50, %eq3A_114 : i32
        %convert_element_type3A_116 = arith.extui %eq3A_115 : i1 to i32
        %cond3A_117 = arith.constant 0 : i32
        %cond3A_118 = arith.cmpi ne, %convert_element_type3A_116, %cond3A_117 : i32
        scf.if %cond3A_118 {
          %mul3A_155 = arith.constant 9375 : i32
          %mul3A_156 = arith.muli %arg1, %mul3A_155 : i32
          %add3A_157 = arith.constant 125 : i32
          %add3A_158 = arith.addi %mul3A_156, %add3A_157 : i32
          %dma_start3A = arith.constant 1 : i32
          %dma_start3A_159 = arith.constant 1 : i32
          %dma_start3A_160 = arith.constant 0 : i32
          %dma_start3A_161 = arith.constant 0 : i32
          %dma_start3A_162 = tpu.memref_slice %arg16[%dma_start3A, %dma_start3A_160, %dma_start3A_161] : memref<3x125x128xf32, #tpu.memory_space<vmem>> -> memref<1x125x128xf32, #tpu.memory_space<vmem>>
          %dma_start3A_163 = tpu.memref_squeeze %dma_start3A_162 : memref<1x125x128xf32, #tpu.memory_space<vmem>> -> memref<125x128xf32, #tpu.memory_space<vmem>>
          %dma_start3A_164 = arith.constant 0 : i32
          %dma_start3A_165 = tpu.memref_slice %arg4[%add3A_158, %dma_start3A_164] : memref<150000x128xf32, #tpu.memory_space<hbm>> -> memref<125x128xf32, #tpu.memory_space<hbm>>
          %dma_start3A_166 = tpu.memref_slice %arg17[%dma_start3A_159] : memref<3x!tpu.dma_semaphore, #tpu.memory_space<semaphore_mem>> -> memref<1x!tpu.dma_semaphore, #tpu.memory_space<semaphore_mem>>
          %dma_start3A_167 = tpu.memref_squeeze %dma_start3A_166 : memref<1x!tpu.dma_semaphore, #tpu.memory_space<semaphore_mem>> -> memref<!tpu.dma_semaphore, #tpu.memory_space<semaphore_mem>>
          %dma_start3A_168 = arith.constant 0 : i32
          %dma_start3A_169 = arith.constant 0 : i32
          %dma_start3A_170 = tpu.memref_slice %arg16[%dma_start3A, %dma_start3A_168, %dma_start3A_169] : memref<3x125x128xf32, #tpu.memory_space<vmem>> -> memref<1x125x128xf32, #tpu.memory_space<vmem>>
          %dma_start3A_171 = tpu.memref_squeeze %dma_start3A_170 : memref<1x125x128xf32, #tpu.memory_space<vmem>> -> memref<125x128xf32, #tpu.memory_space<vmem>>
          %dma_start3A_172 = arith.constant 0 : i32
          %dma_start3A_173 = tpu.memref_slice %arg4[%add3A_158, %dma_start3A_172] : memref<150000x128xf32, #tpu.memory_space<hbm>> -> memref<125x128xf32, #tpu.memory_space<hbm>>
          tpu.enqueue_dma source(%dma_start3A_173 : memref<125x128xf32, #tpu.memory_space<hbm>>) target(%dma_start3A_171 : memref<125x128xf32, #tpu.memory_space<vmem>>) target_semaphore(%dma_start3A_167 : memref<!tpu.dma_semaphore, #tpu.memory_space<semaphore_mem>>)
        } else {
        }
        %mul3A_119 = arith.constant 3 : i32
        %mul3A_120 = arith.muli %scan3A_50, %mul3A_119 : i32
        %add3A_121 = arith.constant 2 : i32
        %add3A_122 = arith.addi %mul3A_120, %add3A_121 : i32
        %mul3A_123 = arith.constant 9375 : i32
        %mul3A_124 = arith.muli %arg1, %mul3A_123 : i32
        %mul3A_125 = arith.constant 125 : i32
        %mul3A_126 = arith.muli %add3A_122, %mul3A_125 : i32
        %add3A_127 = arith.addi %mul3A_124, %mul3A_126 : i32
        %dma_wait3A_128 = arith.constant 2 : i32
        %dma_wait3A_129 = arith.constant 2 : i32
        %dma_wait3A_130 = arith.constant 0 : i32
        %dma_wait3A_131 = arith.constant 0 : i32
        %dma_wait3A_132 = tpu.memref_slice %arg16[%dma_wait3A_128, %dma_wait3A_130, %dma_wait3A_131] : memref<3x125x128xf32, #tpu.memory_space<vmem>> -> memref<1x125x128xf32, #tpu.memory_space<vmem>>
        %dma_wait3A_133 = tpu.memref_squeeze %dma_wait3A_132 : memref<1x125x128xf32, #tpu.memory_space<vmem>> -> memref<125x128xf32, #tpu.memory_space<vmem>>
        %dma_wait3A_134 = arith.constant 0 : i32
        %dma_wait3A_135 = tpu.memref_slice %arg2[%add3A_127, %dma_wait3A_134] : memref<150000x128xf32, #tpu.memory_space<hbm>> -> memref<125x128xf32, #tpu.memory_space<hbm>>
        %dma_wait3A_136 = tpu.memref_slice %arg17[%dma_wait3A_129] : memref<3x!tpu.dma_semaphore, #tpu.memory_space<semaphore_mem>> -> memref<1x!tpu.dma_semaphore, #tpu.memory_space<semaphore_mem>>
        %dma_wait3A_137 = tpu.memref_squeeze %dma_wait3A_136 : memref<1x!tpu.dma_semaphore, #tpu.memory_space<semaphore_mem>> -> memref<!tpu.dma_semaphore, #tpu.memory_space<semaphore_mem>>
        %dma_wait3A_138 = arith.constant 0 : i32
        %dma_wait3A_139 = arith.constant 0 : i32
        %dma_wait3A_140 = tpu.memref_slice %arg16[%dma_wait3A_128, %dma_wait3A_138, %dma_wait3A_139] : memref<3x125x128xf32, #tpu.memory_space<vmem>> -> memref<1x125x128xf32, #tpu.memory_space<vmem>>
        %dma_wait3A_141 = tpu.memref_squeeze %dma_wait3A_140 : memref<1x125x128xf32, #tpu.memory_space<vmem>> -> memref<125x128xf32, #tpu.memory_space<vmem>>
        %dma_wait3A_142 = arith.constant 0 : i32
        %dma_wait3A_143 = tpu.memref_slice %arg2[%add3A_127, %dma_wait3A_142] : memref<150000x128xf32, #tpu.memory_space<hbm>> -> memref<125x128xf32, #tpu.memory_space<hbm>>
        tpu.wait_dma2 semaphore(%dma_wait3A_137 : memref<!tpu.dma_semaphore, #tpu.memory_space<semaphore_mem>>) src(%dma_wait3A_143 : memref<125x128xf32, #tpu.memory_space<hbm>>) dst(%dma_wait3A_141 : memref<125x128xf32, #tpu.memory_space<vmem>>)
        %run_scoped3A_144 = arith.constant 2 : i32
        "tpu.region"() ({
          %run_scoped3A_155 = tpu.sem_alloc : memref<!tpu.dma_semaphore, #tpu.memory_space<semaphore_mem>>
          %dma_start3A = arith.constant 0 : i32
          %dma_start3A_156 = arith.constant 0 : i32
          %dma_start3A_157 = tpu.memref_slice %arg16[%run_scoped3A_144, %dma_start3A, %dma_start3A_156] : memref<3x125x128xf32, #tpu.memory_space<vmem>> -> memref<1x125x128xf32, #tpu.memory_space<vmem>>
          %dma_start3A_158 = tpu.memref_squeeze %dma_start3A_157 : memref<1x125x128xf32, #tpu.memory_space<vmem>> -> memref<125x128xf32, #tpu.memory_space<vmem>>
          %dma_start3A_159 = arith.constant 0 : i32
          %dma_start3A_160 = tpu.memref_slice %arg14[%add3A_122, %dma_start3A_159] : memref<75x125xi32, #tpu.memory_space<vmem>> -> memref<1x125xi32, #tpu.memory_space<vmem>>
          %dma_start3A_161 = tpu.memref_squeeze %dma_start3A_160 : memref<1x125xi32, #tpu.memory_space<vmem>> -> memref<125xi32, #tpu.memory_space<vmem>>
          %dma_start3A_162 = arith.constant 0 : i32
          %dma_start3A_163 = arith.constant 0 : i32
          %dma_start3A_164 = tpu.memref_slice %arg11[%dma_start3A_162, %dma_start3A_163] : memref<1000x128xf32, #tpu.memory_space<vmem_shared>> -> memref<1000x128xf32, #tpu.memory_space<vmem_shared>>
          tpu.enqueue_indirect_dma source(%dma_start3A_158 : memref<125x128xf32, #tpu.memory_space<vmem>>) target(%dma_start3A_164 : memref<1000x128xf32, #tpu.memory_space<vmem_shared>>) offsets(%dma_start3A_161 : memref<125xi32, #tpu.memory_space<vmem>>) semaphore(%run_scoped3A_155 : memref<!tpu.dma_semaphore, #tpu.memory_space<semaphore_mem>>) {add = true}
          %dma_wait3A_165 = arith.constant 0 : i32
          %dma_wait3A_166 = arith.constant 0 : i32
          %dma_wait3A_167 = tpu.memref_slice %arg16[%run_scoped3A_144, %dma_wait3A_165, %dma_wait3A_166] : memref<3x125x128xf32, #tpu.memory_space<vmem>> -> memref<1x125x128xf32, #tpu.memory_space<vmem>>
          %dma_wait3A_168 = tpu.memref_squeeze %dma_wait3A_167 : memref<1x125x128xf32, #tpu.memory_space<vmem>> -> memref<125x128xf32, #tpu.memory_space<vmem>>
          %dma_wait3A_169 = arith.constant 0 : i32
          %dma_wait3A_170 = tpu.memref_slice %arg14[%add3A_122, %dma_wait3A_169] : memref<75x125xi32, #tpu.memory_space<vmem>> -> memref<1x125xi32, #tpu.memory_space<vmem>>
          %dma_wait3A_171 = tpu.memref_squeeze %dma_wait3A_170 : memref<1x125xi32, #tpu.memory_space<vmem>> -> memref<125xi32, #tpu.memory_space<vmem>>
          %dma_wait3A_172 = arith.constant 0 : i32
          %dma_wait3A_173 = arith.constant 0 : i32
          %dma_wait3A_174 = tpu.memref_slice %arg11[%dma_wait3A_172, %dma_wait3A_173] : memref<1000x128xf32, #tpu.memory_space<vmem_shared>> -> memref<1000x128xf32, #tpu.memory_space<vmem_shared>>
          tpu.wait_indirect_dma semaphore(%run_scoped3A_155 : memref<!tpu.dma_semaphore, #tpu.memory_space<semaphore_mem>>) src(%dma_wait3A_168 : memref<125x128xf32, #tpu.memory_space<vmem>>) dst(%dma_wait3A_174 : memref<1000x128xf32, #tpu.memory_space<vmem_shared>>)
          tpu.yield
        }) : () -> ()
        %lt3A_145 = arith.constant 24 : i32
        %lt3A_146 = arith.cmpi slt, %scan3A_50, %lt3A_145 : i32
        %convert_element_type3A_147 = arith.extui %lt3A_146 : i1 to i32
        %cond3A_148 = arith.constant 0 : i32
        %cond3A_149 = arith.cmpi ne, %convert_element_type3A_147, %cond3A_148 : i32
        scf.if %cond3A_149 {
          %add3A_155 = arith.constant 3 : i32
          %add3A_156 = arith.addi %add3A_122, %add3A_155 : i32
          %mul3A_157 = arith.constant 9375 : i32
          %mul3A_158 = arith.muli %arg1, %mul3A_157 : i32
          %mul3A_159 = arith.constant 125 : i32
          %mul3A_160 = arith.muli %add3A_156, %mul3A_159 : i32
          %add3A_161 = arith.addi %mul3A_158, %mul3A_160 : i32
          %dma_start3A = arith.constant 2 : i32
          %dma_start3A_162 = arith.constant 2 : i32
          %dma_start3A_163 = arith.constant 0 : i32
          %dma_start3A_164 = arith.constant 0 : i32
          %dma_start3A_165 = tpu.memref_slice %arg16[%dma_start3A, %dma_start3A_163, %dma_start3A_164] : memref<3x125x128xf32, #tpu.memory_space<vmem>> -> memref<1x125x128xf32, #tpu.memory_space<vmem>>
          %dma_start3A_166 = tpu.memref_squeeze %dma_start3A_165 : memref<1x125x128xf32, #tpu.memory_space<vmem>> -> memref<125x128xf32, #tpu.memory_space<vmem>>
          %dma_start3A_167 = arith.constant 0 : i32
          %dma_start3A_168 = tpu.memref_slice %arg2[%add3A_161, %dma_start3A_167] : memref<150000x128xf32, #tpu.memory_space<hbm>> -> memref<125x128xf32, #tpu.memory_space<hbm>>
          %dma_start3A_169 = tpu.memref_slice %arg17[%dma_start3A_162] : memref<3x!tpu.dma_semaphore, #tpu.memory_space<semaphore_mem>> -> memref<1x!tpu.dma_semaphore, #tpu.memory_space<semaphore_mem>>
          %dma_start3A_170 = tpu.memref_squeeze %dma_start3A_169 : memref<1x!tpu.dma_semaphore, #tpu.memory_space<semaphore_mem>> -> memref<!tpu.dma_semaphore, #tpu.memory_space<semaphore_mem>>
          %dma_start3A_171 = arith.constant 0 : i32
          %dma_start3A_172 = arith.constant 0 : i32
          %dma_start3A_173 = tpu.memref_slice %arg16[%dma_start3A, %dma_start3A_171, %dma_start3A_172] : memref<3x125x128xf32, #tpu.memory_space<vmem>> -> memref<1x125x128xf32, #tpu.memory_space<vmem>>
          %dma_start3A_174 = tpu.memref_squeeze %dma_start3A_173 : memref<1x125x128xf32, #tpu.memory_space<vmem>> -> memref<125x128xf32, #tpu.memory_space<vmem>>
          %dma_start3A_175 = arith.constant 0 : i32
          %dma_start3A_176 = tpu.memref_slice %arg2[%add3A_161, %dma_start3A_175] : memref<150000x128xf32, #tpu.memory_space<hbm>> -> memref<125x128xf32, #tpu.memory_space<hbm>>
          tpu.enqueue_dma source(%dma_start3A_176 : memref<125x128xf32, #tpu.memory_space<hbm>>) target(%dma_start3A_174 : memref<125x128xf32, #tpu.memory_space<vmem>>) target_semaphore(%dma_start3A_170 : memref<!tpu.dma_semaphore, #tpu.memory_space<semaphore_mem>>)
        } else {
        }
        %eq3A_150 = arith.constant 24 : i32
        %eq3A_151 = arith.cmpi eq, %scan3A_50, %eq3A_150 : i32
        %convert_element_type3A_152 = arith.extui %eq3A_151 : i1 to i32
        %cond3A_153 = arith.constant 0 : i32
        %cond3A_154 = arith.cmpi ne, %convert_element_type3A_152, %cond3A_153 : i32
        scf.if %cond3A_154 {
          %mul3A_155 = arith.constant 9375 : i32
          %mul3A_156 = arith.muli %arg1, %mul3A_155 : i32
          %add3A_157 = arith.constant 250 : i32
          %add3A_158 = arith.addi %mul3A_156, %add3A_157 : i32
          %dma_start3A = arith.constant 2 : i32
          %dma_start3A_159 = arith.constant 2 : i32
          %dma_start3A_160 = arith.constant 0 : i32
          %dma_start3A_161 = arith.constant 0 : i32
          %dma_start3A_162 = tpu.memref_slice %arg16[%dma_start3A, %dma_start3A_160, %dma_start3A_161] : memref<3x125x128xf32, #tpu.memory_space<vmem>> -> memref<1x125x128xf32, #tpu.memory_space<vmem>>
          %dma_start3A_163 = tpu.memref_squeeze %dma_start3A_162 : memref<1x125x128xf32, #tpu.memory_space<vmem>> -> memref<125x128xf32, #tpu.memory_space<vmem>>
          %dma_start3A_164 = arith.constant 0 : i32
          %dma_start3A_165 = tpu.memref_slice %arg4[%add3A_158, %dma_start3A_164] : memref<150000x128xf32, #tpu.memory_space<hbm>> -> memref<125x128xf32, #tpu.memory_space<hbm>>
          %dma_start3A_166 = tpu.memref_slice %arg17[%dma_start3A_159] : memref<3x!tpu.dma_semaphore, #tpu.memory_space<semaphore_mem>> -> memref<1x!tpu.dma_semaphore, #tpu.memory_space<semaphore_mem>>
          %dma_start3A_167 = tpu.memref_squeeze %dma_start3A_166 : memref<1x!tpu.dma_semaphore, #tpu.memory_space<semaphore_mem>> -> memref<!tpu.dma_semaphore, #tpu.memory_space<semaphore_mem>>
          %dma_start3A_168 = arith.constant 0 : i32
          %dma_start3A_169 = arith.constant 0 : i32
          %dma_start3A_170 = tpu.memref_slice %arg16[%dma_start3A, %dma_start3A_168, %dma_start3A_169] : memref<3x125x128xf32, #tpu.memory_space<vmem>> -> memref<1x125x128xf32, #tpu.memory_space<vmem>>
          %dma_start3A_171 = tpu.memref_squeeze %dma_start3A_170 : memref<1x125x128xf32, #tpu.memory_space<vmem>> -> memref<125x128xf32, #tpu.memory_space<vmem>>
          %dma_start3A_172 = arith.constant 0 : i32
          %dma_start3A_173 = tpu.memref_slice %arg4[%add3A_158, %dma_start3A_172] : memref<150000x128xf32, #tpu.memory_space<hbm>> -> memref<125x128xf32, #tpu.memory_space<hbm>>
          tpu.enqueue_dma source(%dma_start3A_173 : memref<125x128xf32, #tpu.memory_space<hbm>>) target(%dma_start3A_171 : memref<125x128xf32, #tpu.memory_space<vmem>>) target_semaphore(%dma_start3A_167 : memref<!tpu.dma_semaphore, #tpu.memory_space<semaphore_mem>>)
        } else {
        }
      }
      %scan3A_44 = arith.constant 25 : i32
      %scan3A_45 = arith.constant 0 : i32
      %scan3A_46 = arith.constant 25 : i32
      %scan3A_47 = arith.addi %scan3A_45, %scan3A_46 : i32
      %scan3A_48 = arith.constant 1 : i32
      scf.for %scan3A_50 = %scan3A_45 to %scan3A_47 step %scan3A_48  : i32 {
        %mul3A = arith.constant 3 : i32
        %mul3A_51 = arith.muli %scan3A_50, %mul3A : i32
        %add3A = arith.constant 0 : i32
        %add3A_52 = arith.addi %mul3A_51, %add3A : i32
        %mul3A_53 = arith.constant 9375 : i32
        %mul3A_54 = arith.muli %arg1, %mul3A_53 : i32
        %mul3A_55 = arith.constant 125 : i32
        %mul3A_56 = arith.muli %add3A_52, %mul3A_55 : i32
        %add3A_57 = arith.addi %mul3A_54, %mul3A_56 : i32
        %dma_wait3A = arith.constant 0 : i32
        %dma_wait3A_58 = arith.constant 0 : i32
        %dma_wait3A_59 = arith.constant 0 : i32
        %dma_wait3A_60 = arith.constant 0 : i32
        %dma_wait3A_61 = tpu.memref_slice %arg16[%dma_wait3A, %dma_wait3A_59, %dma_wait3A_60] : memref<3x125x128xf32, #tpu.memory_space<vmem>> -> memref<1x125x128xf32, #tpu.memory_space<vmem>>
        %dma_wait3A_62 = tpu.memref_squeeze %dma_wait3A_61 : memref<1x125x128xf32, #tpu.memory_space<vmem>> -> memref<125x128xf32, #tpu.memory_space<vmem>>
        %dma_wait3A_63 = arith.constant 0 : i32
        %dma_wait3A_64 = tpu.memref_slice %arg4[%add3A_57, %dma_wait3A_63] : memref<150000x128xf32, #tpu.memory_space<hbm>> -> memref<125x128xf32, #tpu.memory_space<hbm>>
        %dma_wait3A_65 = tpu.memref_slice %arg17[%dma_wait3A_58] : memref<3x!tpu.dma_semaphore, #tpu.memory_space<semaphore_mem>> -> memref<1x!tpu.dma_semaphore, #tpu.memory_space<semaphore_mem>>
        %dma_wait3A_66 = tpu.memref_squeeze %dma_wait3A_65 : memref<1x!tpu.dma_semaphore, #tpu.memory_space<semaphore_mem>> -> memref<!tpu.dma_semaphore, #tpu.memory_space<semaphore_mem>>
        %dma_wait3A_67 = arith.constant 0 : i32
        %dma_wait3A_68 = arith.constant 0 : i32
        %dma_wait3A_69 = tpu.memref_slice %arg16[%dma_wait3A, %dma_wait3A_67, %dma_wait3A_68] : memref<3x125x128xf32, #tpu.memory_space<vmem>> -> memref<1x125x128xf32, #tpu.memory_space<vmem>>
        %dma_wait3A_70 = tpu.memref_squeeze %dma_wait3A_69 : memref<1x125x128xf32, #tpu.memory_space<vmem>> -> memref<125x128xf32, #tpu.memory_space<vmem>>
        %dma_wait3A_71 = arith.constant 0 : i32
        %dma_wait3A_72 = tpu.memref_slice %arg4[%add3A_57, %dma_wait3A_71] : memref<150000x128xf32, #tpu.memory_space<hbm>> -> memref<125x128xf32, #tpu.memory_space<hbm>>
        tpu.wait_dma2 semaphore(%dma_wait3A_66 : memref<!tpu.dma_semaphore, #tpu.memory_space<semaphore_mem>>) src(%dma_wait3A_72 : memref<125x128xf32, #tpu.memory_space<hbm>>) dst(%dma_wait3A_70 : memref<125x128xf32, #tpu.memory_space<vmem>>)
        %run_scoped3A = arith.constant 0 : i32
        "tpu.region"() ({
          %run_scoped3A_140 = tpu.sem_alloc : memref<!tpu.dma_semaphore, #tpu.memory_space<semaphore_mem>>
          %dma_start3A = arith.constant 0 : i32
          %dma_start3A_141 = arith.constant 0 : i32
          %dma_start3A_142 = tpu.memref_slice %arg16[%run_scoped3A, %dma_start3A, %dma_start3A_141] : memref<3x125x128xf32, #tpu.memory_space<vmem>> -> memref<1x125x128xf32, #tpu.memory_space<vmem>>
          %dma_start3A_143 = tpu.memref_squeeze %dma_start3A_142 : memref<1x125x128xf32, #tpu.memory_space<vmem>> -> memref<125x128xf32, #tpu.memory_space<vmem>>
          %dma_start3A_144 = arith.constant 0 : i32
          %dma_start3A_145 = tpu.memref_slice %arg15[%add3A_52, %dma_start3A_144] : memref<75x125xi32, #tpu.memory_space<vmem>> -> memref<1x125xi32, #tpu.memory_space<vmem>>
          %dma_start3A_146 = tpu.memref_squeeze %dma_start3A_145 : memref<1x125xi32, #tpu.memory_space<vmem>> -> memref<125xi32, #tpu.memory_space<vmem>>
          %dma_start3A_147 = arith.constant 0 : i32
          %dma_start3A_148 = arith.constant 0 : i32
          %dma_start3A_149 = tpu.memref_slice %arg12[%dma_start3A_147, %dma_start3A_148] : memref<1000x128xf32, #tpu.memory_space<vmem_shared>> -> memref<1000x128xf32, #tpu.memory_space<vmem_shared>>
          tpu.enqueue_indirect_dma source(%dma_start3A_143 : memref<125x128xf32, #tpu.memory_space<vmem>>) target(%dma_start3A_149 : memref<1000x128xf32, #tpu.memory_space<vmem_shared>>) offsets(%dma_start3A_146 : memref<125xi32, #tpu.memory_space<vmem>>) semaphore(%run_scoped3A_140 : memref<!tpu.dma_semaphore, #tpu.memory_space<semaphore_mem>>) {add = true}
          %dma_wait3A_150 = arith.constant 0 : i32
          %dma_wait3A_151 = arith.constant 0 : i32
          %dma_wait3A_152 = tpu.memref_slice %arg16[%run_scoped3A, %dma_wait3A_150, %dma_wait3A_151] : memref<3x125x128xf32, #tpu.memory_space<vmem>> -> memref<1x125x128xf32, #tpu.memory_space<vmem>>
          %dma_wait3A_153 = tpu.memref_squeeze %dma_wait3A_152 : memref<1x125x128xf32, #tpu.memory_space<vmem>> -> memref<125x128xf32, #tpu.memory_space<vmem>>
          %dma_wait3A_154 = arith.constant 0 : i32
          %dma_wait3A_155 = tpu.memref_slice %arg15[%add3A_52, %dma_wait3A_154] : memref<75x125xi32, #tpu.memory_space<vmem>> -> memref<1x125xi32, #tpu.memory_space<vmem>>
          %dma_wait3A_156 = tpu.memref_squeeze %dma_wait3A_155 : memref<1x125xi32, #tpu.memory_space<vmem>> -> memref<125xi32, #tpu.memory_space<vmem>>
          %dma_wait3A_157 = arith.constant 0 : i32
          %dma_wait3A_158 = arith.constant 0 : i32
          %dma_wait3A_159 = tpu.memref_slice %arg12[%dma_wait3A_157, %dma_wait3A_158] : memref<1000x128xf32, #tpu.memory_space<vmem_shared>> -> memref<1000x128xf32, #tpu.memory_space<vmem_shared>>
          tpu.wait_indirect_dma semaphore(%run_scoped3A_140 : memref<!tpu.dma_semaphore, #tpu.memory_space<semaphore_mem>>) src(%dma_wait3A_153 : memref<125x128xf32, #tpu.memory_space<vmem>>) dst(%dma_wait3A_159 : memref<1000x128xf32, #tpu.memory_space<vmem_shared>>)
          tpu.yield
        }) : () -> ()
        %lt3A_73 = arith.constant 24 : i32
        %lt3A_74 = arith.cmpi slt, %scan3A_50, %lt3A_73 : i32
        %convert_element_type3A_75 = arith.extui %lt3A_74 : i1 to i32
        %cond3A_76 = arith.constant 0 : i32
        %cond3A_77 = arith.cmpi ne, %convert_element_type3A_75, %cond3A_76 : i32
        scf.if %cond3A_77 {
          %add3A_140 = arith.constant 3 : i32
          %add3A_141 = arith.addi %add3A_52, %add3A_140 : i32
          %mul3A_142 = arith.constant 9375 : i32
          %mul3A_143 = arith.muli %arg1, %mul3A_142 : i32
          %mul3A_144 = arith.constant 125 : i32
          %mul3A_145 = arith.muli %add3A_141, %mul3A_144 : i32
          %add3A_146 = arith.addi %mul3A_143, %mul3A_145 : i32
          %dma_start3A = arith.constant 0 : i32
          %dma_start3A_147 = arith.constant 0 : i32
          %dma_start3A_148 = arith.constant 0 : i32
          %dma_start3A_149 = arith.constant 0 : i32
          %dma_start3A_150 = tpu.memref_slice %arg16[%dma_start3A, %dma_start3A_148, %dma_start3A_149] : memref<3x125x128xf32, #tpu.memory_space<vmem>> -> memref<1x125x128xf32, #tpu.memory_space<vmem>>
          %dma_start3A_151 = tpu.memref_squeeze %dma_start3A_150 : memref<1x125x128xf32, #tpu.memory_space<vmem>> -> memref<125x128xf32, #tpu.memory_space<vmem>>
          %dma_start3A_152 = arith.constant 0 : i32
          %dma_start3A_153 = tpu.memref_slice %arg4[%add3A_146, %dma_start3A_152] : memref<150000x128xf32, #tpu.memory_space<hbm>> -> memref<125x128xf32, #tpu.memory_space<hbm>>
          %dma_start3A_154 = tpu.memref_slice %arg17[%dma_start3A_147] : memref<3x!tpu.dma_semaphore, #tpu.memory_space<semaphore_mem>> -> memref<1x!tpu.dma_semaphore, #tpu.memory_space<semaphore_mem>>
          %dma_start3A_155 = tpu.memref_squeeze %dma_start3A_154 : memref<1x!tpu.dma_semaphore, #tpu.memory_space<semaphore_mem>> -> memref<!tpu.dma_semaphore, #tpu.memory_space<semaphore_mem>>
          %dma_start3A_156 = arith.constant 0 : i32
          %dma_start3A_157 = arith.constant 0 : i32
          %dma_start3A_158 = tpu.memref_slice %arg16[%dma_start3A, %dma_start3A_156, %dma_start3A_157] : memref<3x125x128xf32, #tpu.memory_space<vmem>> -> memref<1x125x128xf32, #tpu.memory_space<vmem>>
          %dma_start3A_159 = tpu.memref_squeeze %dma_start3A_158 : memref<1x125x128xf32, #tpu.memory_space<vmem>> -> memref<125x128xf32, #tpu.memory_space<vmem>>
          %dma_start3A_160 = arith.constant 0 : i32
          %dma_start3A_161 = tpu.memref_slice %arg4[%add3A_146, %dma_start3A_160] : memref<150000x128xf32, #tpu.memory_space<hbm>> -> memref<125x128xf32, #tpu.memory_space<hbm>>
          tpu.enqueue_dma source(%dma_start3A_161 : memref<125x128xf32, #tpu.memory_space<hbm>>) target(%dma_start3A_159 : memref<125x128xf32, #tpu.memory_space<vmem>>) target_semaphore(%dma_start3A_155 : memref<!tpu.dma_semaphore, #tpu.memory_space<semaphore_mem>>)
        } else {
        }
        %mul3A_78 = arith.constant 3 : i32
        %mul3A_79 = arith.muli %scan3A_50, %mul3A_78 : i32
        %add3A_80 = arith.constant 1 : i32
        %add3A_81 = arith.addi %mul3A_79, %add3A_80 : i32
        %mul3A_82 = arith.constant 9375 : i32
        %mul3A_83 = arith.muli %arg1, %mul3A_82 : i32
        %mul3A_84 = arith.constant 125 : i32
        %mul3A_85 = arith.muli %add3A_81, %mul3A_84 : i32
        %add3A_86 = arith.addi %mul3A_83, %mul3A_85 : i32
        %dma_wait3A_87 = arith.constant 1 : i32
        %dma_wait3A_88 = arith.constant 1 : i32
        %dma_wait3A_89 = arith.constant 0 : i32
        %dma_wait3A_90 = arith.constant 0 : i32
        %dma_wait3A_91 = tpu.memref_slice %arg16[%dma_wait3A_87, %dma_wait3A_89, %dma_wait3A_90] : memref<3x125x128xf32, #tpu.memory_space<vmem>> -> memref<1x125x128xf32, #tpu.memory_space<vmem>>
        %dma_wait3A_92 = tpu.memref_squeeze %dma_wait3A_91 : memref<1x125x128xf32, #tpu.memory_space<vmem>> -> memref<125x128xf32, #tpu.memory_space<vmem>>
        %dma_wait3A_93 = arith.constant 0 : i32
        %dma_wait3A_94 = tpu.memref_slice %arg4[%add3A_86, %dma_wait3A_93] : memref<150000x128xf32, #tpu.memory_space<hbm>> -> memref<125x128xf32, #tpu.memory_space<hbm>>
        %dma_wait3A_95 = tpu.memref_slice %arg17[%dma_wait3A_88] : memref<3x!tpu.dma_semaphore, #tpu.memory_space<semaphore_mem>> -> memref<1x!tpu.dma_semaphore, #tpu.memory_space<semaphore_mem>>
        %dma_wait3A_96 = tpu.memref_squeeze %dma_wait3A_95 : memref<1x!tpu.dma_semaphore, #tpu.memory_space<semaphore_mem>> -> memref<!tpu.dma_semaphore, #tpu.memory_space<semaphore_mem>>
        %dma_wait3A_97 = arith.constant 0 : i32
        %dma_wait3A_98 = arith.constant 0 : i32
        %dma_wait3A_99 = tpu.memref_slice %arg16[%dma_wait3A_87, %dma_wait3A_97, %dma_wait3A_98] : memref<3x125x128xf32, #tpu.memory_space<vmem>> -> memref<1x125x128xf32, #tpu.memory_space<vmem>>
        %dma_wait3A_100 = tpu.memref_squeeze %dma_wait3A_99 : memref<1x125x128xf32, #tpu.memory_space<vmem>> -> memref<125x128xf32, #tpu.memory_space<vmem>>
        %dma_wait3A_101 = arith.constant 0 : i32
        %dma_wait3A_102 = tpu.memref_slice %arg4[%add3A_86, %dma_wait3A_101] : memref<150000x128xf32, #tpu.memory_space<hbm>> -> memref<125x128xf32, #tpu.memory_space<hbm>>
        tpu.wait_dma2 semaphore(%dma_wait3A_96 : memref<!tpu.dma_semaphore, #tpu.memory_space<semaphore_mem>>) src(%dma_wait3A_102 : memref<125x128xf32, #tpu.memory_space<hbm>>) dst(%dma_wait3A_100 : memref<125x128xf32, #tpu.memory_space<vmem>>)
        %run_scoped3A_103 = arith.constant 1 : i32
        "tpu.region"() ({
          %run_scoped3A_140 = tpu.sem_alloc : memref<!tpu.dma_semaphore, #tpu.memory_space<semaphore_mem>>
          %dma_start3A = arith.constant 0 : i32
          %dma_start3A_141 = arith.constant 0 : i32
          %dma_start3A_142 = tpu.memref_slice %arg16[%run_scoped3A_103, %dma_start3A, %dma_start3A_141] : memref<3x125x128xf32, #tpu.memory_space<vmem>> -> memref<1x125x128xf32, #tpu.memory_space<vmem>>
          %dma_start3A_143 = tpu.memref_squeeze %dma_start3A_142 : memref<1x125x128xf32, #tpu.memory_space<vmem>> -> memref<125x128xf32, #tpu.memory_space<vmem>>
          %dma_start3A_144 = arith.constant 0 : i32
          %dma_start3A_145 = tpu.memref_slice %arg15[%add3A_81, %dma_start3A_144] : memref<75x125xi32, #tpu.memory_space<vmem>> -> memref<1x125xi32, #tpu.memory_space<vmem>>
          %dma_start3A_146 = tpu.memref_squeeze %dma_start3A_145 : memref<1x125xi32, #tpu.memory_space<vmem>> -> memref<125xi32, #tpu.memory_space<vmem>>
          %dma_start3A_147 = arith.constant 0 : i32
          %dma_start3A_148 = arith.constant 0 : i32
          %dma_start3A_149 = tpu.memref_slice %arg12[%dma_start3A_147, %dma_start3A_148] : memref<1000x128xf32, #tpu.memory_space<vmem_shared>> -> memref<1000x128xf32, #tpu.memory_space<vmem_shared>>
          tpu.enqueue_indirect_dma source(%dma_start3A_143 : memref<125x128xf32, #tpu.memory_space<vmem>>) target(%dma_start3A_149 : memref<1000x128xf32, #tpu.memory_space<vmem_shared>>) offsets(%dma_start3A_146 : memref<125xi32, #tpu.memory_space<vmem>>) semaphore(%run_scoped3A_140 : memref<!tpu.dma_semaphore, #tpu.memory_space<semaphore_mem>>) {add = true}
          %dma_wait3A_150 = arith.constant 0 : i32
          %dma_wait3A_151 = arith.constant 0 : i32
          %dma_wait3A_152 = tpu.memref_slice %arg16[%run_scoped3A_103, %dma_wait3A_150, %dma_wait3A_151] : memref<3x125x128xf32, #tpu.memory_space<vmem>> -> memref<1x125x128xf32, #tpu.memory_space<vmem>>
          %dma_wait3A_153 = tpu.memref_squeeze %dma_wait3A_152 : memref<1x125x128xf32, #tpu.memory_space<vmem>> -> memref<125x128xf32, #tpu.memory_space<vmem>>
          %dma_wait3A_154 = arith.constant 0 : i32
          %dma_wait3A_155 = tpu.memref_slice %arg15[%add3A_81, %dma_wait3A_154] : memref<75x125xi32, #tpu.memory_space<vmem>> -> memref<1x125xi32, #tpu.memory_space<vmem>>
          %dma_wait3A_156 = tpu.memref_squeeze %dma_wait3A_155 : memref<1x125xi32, #tpu.memory_space<vmem>> -> memref<125xi32, #tpu.memory_space<vmem>>
          %dma_wait3A_157 = arith.constant 0 : i32
          %dma_wait3A_158 = arith.constant 0 : i32
          %dma_wait3A_159 = tpu.memref_slice %arg12[%dma_wait3A_157, %dma_wait3A_158] : memref<1000x128xf32, #tpu.memory_space<vmem_shared>> -> memref<1000x128xf32, #tpu.memory_space<vmem_shared>>
          tpu.wait_indirect_dma semaphore(%run_scoped3A_140 : memref<!tpu.dma_semaphore, #tpu.memory_space<semaphore_mem>>) src(%dma_wait3A_153 : memref<125x128xf32, #tpu.memory_space<vmem>>) dst(%dma_wait3A_159 : memref<1000x128xf32, #tpu.memory_space<vmem_shared>>)
          tpu.yield
        }) : () -> ()
        %lt3A_104 = arith.constant 24 : i32
        %lt3A_105 = arith.cmpi slt, %scan3A_50, %lt3A_104 : i32
        %convert_element_type3A_106 = arith.extui %lt3A_105 : i1 to i32
        %cond3A_107 = arith.constant 0 : i32
        %cond3A_108 = arith.cmpi ne, %convert_element_type3A_106, %cond3A_107 : i32
        scf.if %cond3A_108 {
          %add3A_140 = arith.constant 3 : i32
          %add3A_141 = arith.addi %add3A_81, %add3A_140 : i32
          %mul3A_142 = arith.constant 9375 : i32
          %mul3A_143 = arith.muli %arg1, %mul3A_142 : i32
          %mul3A_144 = arith.constant 125 : i32
          %mul3A_145 = arith.muli %add3A_141, %mul3A_144 : i32
          %add3A_146 = arith.addi %mul3A_143, %mul3A_145 : i32
          %dma_start3A = arith.constant 1 : i32
          %dma_start3A_147 = arith.constant 1 : i32
          %dma_start3A_148 = arith.constant 0 : i32
          %dma_start3A_149 = arith.constant 0 : i32
          %dma_start3A_150 = tpu.memref_slice %arg16[%dma_start3A, %dma_start3A_148, %dma_start3A_149] : memref<3x125x128xf32, #tpu.memory_space<vmem>> -> memref<1x125x128xf32, #tpu.memory_space<vmem>>
          %dma_start3A_151 = tpu.memref_squeeze %dma_start3A_150 : memref<1x125x128xf32, #tpu.memory_space<vmem>> -> memref<125x128xf32, #tpu.memory_space<vmem>>
          %dma_start3A_152 = arith.constant 0 : i32
          %dma_start3A_153 = tpu.memref_slice %arg4[%add3A_146, %dma_start3A_152] : memref<150000x128xf32, #tpu.memory_space<hbm>> -> memref<125x128xf32, #tpu.memory_space<hbm>>
          %dma_start3A_154 = tpu.memref_slice %arg17[%dma_start3A_147] : memref<3x!tpu.dma_semaphore, #tpu.memory_space<semaphore_mem>> -> memref<1x!tpu.dma_semaphore, #tpu.memory_space<semaphore_mem>>
          %dma_start3A_155 = tpu.memref_squeeze %dma_start3A_154 : memref<1x!tpu.dma_semaphore, #tpu.memory_space<semaphore_mem>> -> memref<!tpu.dma_semaphore, #tpu.memory_space<semaphore_mem>>
          %dma_start3A_156 = arith.constant 0 : i32
          %dma_start3A_157 = arith.constant 0 : i32
          %dma_start3A_158 = tpu.memref_slice %arg16[%dma_start3A, %dma_start3A_156, %dma_start3A_157] : memref<3x125x128xf32, #tpu.memory_space<vmem>> -> memref<1x125x128xf32, #tpu.memory_space<vmem>>
          %dma_start3A_159 = tpu.memref_squeeze %dma_start3A_158 : memref<1x125x128xf32, #tpu.memory_space<vmem>> -> memref<125x128xf32, #tpu.memory_space<vmem>>
          %dma_start3A_160 = arith.constant 0 : i32
          %dma_start3A_161 = tpu.memref_slice %arg4[%add3A_146, %dma_start3A_160] : memref<150000x128xf32, #tpu.memory_space<hbm>> -> memref<125x128xf32, #tpu.memory_space<hbm>>
          tpu.enqueue_dma source(%dma_start3A_161 : memref<125x128xf32, #tpu.memory_space<hbm>>) target(%dma_start3A_159 : memref<125x128xf32, #tpu.memory_space<vmem>>) target_semaphore(%dma_start3A_155 : memref<!tpu.dma_semaphore, #tpu.memory_space<semaphore_mem>>)
        } else {
        }
        %mul3A_109 = arith.constant 3 : i32
        %mul3A_110 = arith.muli %scan3A_50, %mul3A_109 : i32
        %add3A_111 = arith.constant 2 : i32
        %add3A_112 = arith.addi %mul3A_110, %add3A_111 : i32
        %mul3A_113 = arith.constant 9375 : i32
        %mul3A_114 = arith.muli %arg1, %mul3A_113 : i32
        %mul3A_115 = arith.constant 125 : i32
        %mul3A_116 = arith.muli %add3A_112, %mul3A_115 : i32
        %add3A_117 = arith.addi %mul3A_114, %mul3A_116 : i32
        %dma_wait3A_118 = arith.constant 2 : i32
        %dma_wait3A_119 = arith.constant 2 : i32
        %dma_wait3A_120 = arith.constant 0 : i32
        %dma_wait3A_121 = arith.constant 0 : i32
        %dma_wait3A_122 = tpu.memref_slice %arg16[%dma_wait3A_118, %dma_wait3A_120, %dma_wait3A_121] : memref<3x125x128xf32, #tpu.memory_space<vmem>> -> memref<1x125x128xf32, #tpu.memory_space<vmem>>
        %dma_wait3A_123 = tpu.memref_squeeze %dma_wait3A_122 : memref<1x125x128xf32, #tpu.memory_space<vmem>> -> memref<125x128xf32, #tpu.memory_space<vmem>>
        %dma_wait3A_124 = arith.constant 0 : i32
        %dma_wait3A_125 = tpu.memref_slice %arg4[%add3A_117, %dma_wait3A_124] : memref<150000x128xf32, #tpu.memory_space<hbm>> -> memref<125x128xf32, #tpu.memory_space<hbm>>
        %dma_wait3A_126 = tpu.memref_slice %arg17[%dma_wait3A_119] : memref<3x!tpu.dma_semaphore, #tpu.memory_space<semaphore_mem>> -> memref<1x!tpu.dma_semaphore, #tpu.memory_space<semaphore_mem>>
        %dma_wait3A_127 = tpu.memref_squeeze %dma_wait3A_126 : memref<1x!tpu.dma_semaphore, #tpu.memory_space<semaphore_mem>> -> memref<!tpu.dma_semaphore, #tpu.memory_space<semaphore_mem>>
        %dma_wait3A_128 = arith.constant 0 : i32
        %dma_wait3A_129 = arith.constant 0 : i32
        %dma_wait3A_130 = tpu.memref_slice %arg16[%dma_wait3A_118, %dma_wait3A_128, %dma_wait3A_129] : memref<3x125x128xf32, #tpu.memory_space<vmem>> -> memref<1x125x128xf32, #tpu.memory_space<vmem>>
        %dma_wait3A_131 = tpu.memref_squeeze %dma_wait3A_130 : memref<1x125x128xf32, #tpu.memory_space<vmem>> -> memref<125x128xf32, #tpu.memory_space<vmem>>
        %dma_wait3A_132 = arith.constant 0 : i32
        %dma_wait3A_133 = tpu.memref_slice %arg4[%add3A_117, %dma_wait3A_132] : memref<150000x128xf32, #tpu.memory_space<hbm>> -> memref<125x128xf32, #tpu.memory_space<hbm>>
        tpu.wait_dma2 semaphore(%dma_wait3A_127 : memref<!tpu.dma_semaphore, #tpu.memory_space<semaphore_mem>>) src(%dma_wait3A_133 : memref<125x128xf32, #tpu.memory_space<hbm>>) dst(%dma_wait3A_131 : memref<125x128xf32, #tpu.memory_space<vmem>>)
        %run_scoped3A_134 = arith.constant 2 : i32
        "tpu.region"() ({
          %run_scoped3A_140 = tpu.sem_alloc : memref<!tpu.dma_semaphore, #tpu.memory_space<semaphore_mem>>
          %dma_start3A = arith.constant 0 : i32
          %dma_start3A_141 = arith.constant 0 : i32
          %dma_start3A_142 = tpu.memref_slice %arg16[%run_scoped3A_134, %dma_start3A, %dma_start3A_141] : memref<3x125x128xf32, #tpu.memory_space<vmem>> -> memref<1x125x128xf32, #tpu.memory_space<vmem>>
          %dma_start3A_143 = tpu.memref_squeeze %dma_start3A_142 : memref<1x125x128xf32, #tpu.memory_space<vmem>> -> memref<125x128xf32, #tpu.memory_space<vmem>>
          %dma_start3A_144 = arith.constant 0 : i32
          %dma_start3A_145 = tpu.memref_slice %arg15[%add3A_112, %dma_start3A_144] : memref<75x125xi32, #tpu.memory_space<vmem>> -> memref<1x125xi32, #tpu.memory_space<vmem>>
          %dma_start3A_146 = tpu.memref_squeeze %dma_start3A_145 : memref<1x125xi32, #tpu.memory_space<vmem>> -> memref<125xi32, #tpu.memory_space<vmem>>
          %dma_start3A_147 = arith.constant 0 : i32
          %dma_start3A_148 = arith.constant 0 : i32
          %dma_start3A_149 = tpu.memref_slice %arg12[%dma_start3A_147, %dma_start3A_148] : memref<1000x128xf32, #tpu.memory_space<vmem_shared>> -> memref<1000x128xf32, #tpu.memory_space<vmem_shared>>
          tpu.enqueue_indirect_dma source(%dma_start3A_143 : memref<125x128xf32, #tpu.memory_space<vmem>>) target(%dma_start3A_149 : memref<1000x128xf32, #tpu.memory_space<vmem_shared>>) offsets(%dma_start3A_146 : memref<125xi32, #tpu.memory_space<vmem>>) semaphore(%run_scoped3A_140 : memref<!tpu.dma_semaphore, #tpu.memory_space<semaphore_mem>>) {add = true}
          %dma_wait3A_150 = arith.constant 0 : i32
          %dma_wait3A_151 = arith.constant 0 : i32
          %dma_wait3A_152 = tpu.memref_slice %arg16[%run_scoped3A_134, %dma_wait3A_150, %dma_wait3A_151] : memref<3x125x128xf32, #tpu.memory_space<vmem>> -> memref<1x125x128xf32, #tpu.memory_space<vmem>>
          %dma_wait3A_153 = tpu.memref_squeeze %dma_wait3A_152 : memref<1x125x128xf32, #tpu.memory_space<vmem>> -> memref<125x128xf32, #tpu.memory_space<vmem>>
          %dma_wait3A_154 = arith.constant 0 : i32
          %dma_wait3A_155 = tpu.memref_slice %arg15[%add3A_112, %dma_wait3A_154] : memref<75x125xi32, #tpu.memory_space<vmem>> -> memref<1x125xi32, #tpu.memory_space<vmem>>
          %dma_wait3A_156 = tpu.memref_squeeze %dma_wait3A_155 : memref<1x125xi32, #tpu.memory_space<vmem>> -> memref<125xi32, #tpu.memory_space<vmem>>
          %dma_wait3A_157 = arith.constant 0 : i32
          %dma_wait3A_158 = arith.constant 0 : i32
          %dma_wait3A_159 = tpu.memref_slice %arg12[%dma_wait3A_157, %dma_wait3A_158] : memref<1000x128xf32, #tpu.memory_space<vmem_shared>> -> memref<1000x128xf32, #tpu.memory_space<vmem_shared>>
          tpu.wait_indirect_dma semaphore(%run_scoped3A_140 : memref<!tpu.dma_semaphore, #tpu.memory_space<semaphore_mem>>) src(%dma_wait3A_153 : memref<125x128xf32, #tpu.memory_space<vmem>>) dst(%dma_wait3A_159 : memref<1000x128xf32, #tpu.memory_space<vmem_shared>>)
          tpu.yield
        }) : () -> ()
        %lt3A_135 = arith.constant 24 : i32
        %lt3A_136 = arith.cmpi slt, %scan3A_50, %lt3A_135 : i32
        %convert_element_type3A_137 = arith.extui %lt3A_136 : i1 to i32
        %cond3A_138 = arith.constant 0 : i32
        %cond3A_139 = arith.cmpi ne, %convert_element_type3A_137, %cond3A_138 : i32
        scf.if %cond3A_139 {
          %add3A_140 = arith.constant 3 : i32
          %add3A_141 = arith.addi %add3A_112, %add3A_140 : i32
          %mul3A_142 = arith.constant 9375 : i32
          %mul3A_143 = arith.muli %arg1, %mul3A_142 : i32
          %mul3A_144 = arith.constant 125 : i32
          %mul3A_145 = arith.muli %add3A_141, %mul3A_144 : i32
          %add3A_146 = arith.addi %mul3A_143, %mul3A_145 : i32
          %dma_start3A = arith.constant 2 : i32
          %dma_start3A_147 = arith.constant 2 : i32
          %dma_start3A_148 = arith.constant 0 : i32
          %dma_start3A_149 = arith.constant 0 : i32
          %dma_start3A_150 = tpu.memref_slice %arg16[%dma_start3A, %dma_start3A_148, %dma_start3A_149] : memref<3x125x128xf32, #tpu.memory_space<vmem>> -> memref<1x125x128xf32, #tpu.memory_space<vmem>>
          %dma_start3A_151 = tpu.memref_squeeze %dma_start3A_150 : memref<1x125x128xf32, #tpu.memory_space<vmem>> -> memref<125x128xf32, #tpu.memory_space<vmem>>
          %dma_start3A_152 = arith.constant 0 : i32
          %dma_start3A_153 = tpu.memref_slice %arg4[%add3A_146, %dma_start3A_152] : memref<150000x128xf32, #tpu.memory_space<hbm>> -> memref<125x128xf32, #tpu.memory_space<hbm>>
          %dma_start3A_154 = tpu.memref_slice %arg17[%dma_start3A_147] : memref<3x!tpu.dma_semaphore, #tpu.memory_space<semaphore_mem>> -> memref<1x!tpu.dma_semaphore, #tpu.memory_space<semaphore_mem>>
          %dma_start3A_155 = tpu.memref_squeeze %dma_start3A_154 : memref<1x!tpu.dma_semaphore, #tpu.memory_space<semaphore_mem>> -> memref<!tpu.dma_semaphore, #tpu.memory_space<semaphore_mem>>
          %dma_start3A_156 = arith.constant 0 : i32
          %dma_start3A_157 = arith.constant 0 : i32
          %dma_start3A_158 = tpu.memref_slice %arg16[%dma_start3A, %dma_start3A_156, %dma_start3A_157] : memref<3x125x128xf32, #tpu.memory_space<vmem>> -> memref<1x125x128xf32, #tpu.memory_space<vmem>>
          %dma_start3A_159 = tpu.memref_squeeze %dma_start3A_158 : memref<1x125x128xf32, #tpu.memory_space<vmem>> -> memref<125x128xf32, #tpu.memory_space<vmem>>
          %dma_start3A_160 = arith.constant 0 : i32
          %dma_start3A_161 = tpu.memref_slice %arg4[%add3A_146, %dma_start3A_160] : memref<150000x128xf32, #tpu.memory_space<hbm>> -> memref<125x128xf32, #tpu.memory_space<hbm>>
          tpu.enqueue_dma source(%dma_start3A_161 : memref<125x128xf32, #tpu.memory_space<hbm>>) target(%dma_start3A_159 : memref<125x128xf32, #tpu.memory_space<vmem>>) target_semaphore(%dma_start3A_155 : memref<!tpu.dma_semaphore, #tpu.memory_space<semaphore_mem>>)
        } else {
        }
      }
      %scan3A_49 = arith.constant 25 : i32
    } else {
    }
    %eq3A_24 = arith.constant 1 : i32
    %eq3A_25 = arith.cmpi eq, %arg0, %eq3A_24 : i32
    %convert_element_type3A_26 = arith.extui %eq3A_25 : i1 to i32
    %cond3A_27 = arith.constant 0 : i32
    %cond3A_28 = arith.cmpi ne, %convert_element_type3A_26, %cond3A_27 : i32
    scf.if %cond3A_28 {
      %scan3A_40 = arith.constant 0 : i32
      %scan3A_41 = arith.constant 25 : i32
      %scan3A_42 = arith.addi %scan3A_40, %scan3A_41 : i32
      %scan3A_43 = arith.constant 1 : i32
      scf.for %scan3A_50 = %scan3A_40 to %scan3A_42 step %scan3A_43  : i32 {
        %mul3A = arith.constant 3 : i32
        %mul3A_51 = arith.muli %scan3A_50, %mul3A : i32
        %add3A = arith.constant 0 : i32
        %add3A_52 = arith.addi %mul3A_51, %add3A : i32
        %mul3A_53 = arith.constant 9375 : i32
        %mul3A_54 = arith.muli %arg1, %mul3A_53 : i32
        %mul3A_55 = arith.constant 125 : i32
        %mul3A_56 = arith.muli %add3A_52, %mul3A_55 : i32
        %add3A_57 = arith.addi %mul3A_54, %mul3A_56 : i32
        %dma_wait3A = arith.constant 0 : i32
        %dma_wait3A_58 = arith.constant 0 : i32
        %dma_wait3A_59 = arith.constant 0 : i32
        %dma_wait3A_60 = arith.constant 0 : i32
        %dma_wait3A_61 = tpu.memref_slice %arg16[%dma_wait3A, %dma_wait3A_59, %dma_wait3A_60] : memref<3x125x128xf32, #tpu.memory_space<vmem>> -> memref<1x125x128xf32, #tpu.memory_space<vmem>>
        %dma_wait3A_62 = tpu.memref_squeeze %dma_wait3A_61 : memref<1x125x128xf32, #tpu.memory_space<vmem>> -> memref<125x128xf32, #tpu.memory_space<vmem>>
        %dma_wait3A_63 = arith.constant 0 : i32
        %dma_wait3A_64 = tpu.memref_slice %arg6[%add3A_57, %dma_wait3A_63] : memref<150000x128xf32, #tpu.memory_space<hbm>> -> memref<125x128xf32, #tpu.memory_space<hbm>>
        %dma_wait3A_65 = tpu.memref_slice %arg17[%dma_wait3A_58] : memref<3x!tpu.dma_semaphore, #tpu.memory_space<semaphore_mem>> -> memref<1x!tpu.dma_semaphore, #tpu.memory_space<semaphore_mem>>
        %dma_wait3A_66 = tpu.memref_squeeze %dma_wait3A_65 : memref<1x!tpu.dma_semaphore, #tpu.memory_space<semaphore_mem>> -> memref<!tpu.dma_semaphore, #tpu.memory_space<semaphore_mem>>
        %dma_wait3A_67 = arith.constant 0 : i32
        %dma_wait3A_68 = arith.constant 0 : i32
        %dma_wait3A_69 = tpu.memref_slice %arg16[%dma_wait3A, %dma_wait3A_67, %dma_wait3A_68] : memref<3x125x128xf32, #tpu.memory_space<vmem>> -> memref<1x125x128xf32, #tpu.memory_space<vmem>>
        %dma_wait3A_70 = tpu.memref_squeeze %dma_wait3A_69 : memref<1x125x128xf32, #tpu.memory_space<vmem>> -> memref<125x128xf32, #tpu.memory_space<vmem>>
        %dma_wait3A_71 = arith.constant 0 : i32
        %dma_wait3A_72 = tpu.memref_slice %arg6[%add3A_57, %dma_wait3A_71] : memref<150000x128xf32, #tpu.memory_space<hbm>> -> memref<125x128xf32, #tpu.memory_space<hbm>>
        tpu.wait_dma2 semaphore(%dma_wait3A_66 : memref<!tpu.dma_semaphore, #tpu.memory_space<semaphore_mem>>) src(%dma_wait3A_72 : memref<125x128xf32, #tpu.memory_space<hbm>>) dst(%dma_wait3A_70 : memref<125x128xf32, #tpu.memory_space<vmem>>)
        %run_scoped3A = arith.constant 0 : i32
        "tpu.region"() ({
          %run_scoped3A_155 = tpu.sem_alloc : memref<!tpu.dma_semaphore, #tpu.memory_space<semaphore_mem>>
          %dma_start3A = arith.constant 0 : i32
          %dma_start3A_156 = arith.constant 0 : i32
          %dma_start3A_157 = tpu.memref_slice %arg16[%run_scoped3A, %dma_start3A, %dma_start3A_156] : memref<3x125x128xf32, #tpu.memory_space<vmem>> -> memref<1x125x128xf32, #tpu.memory_space<vmem>>
          %dma_start3A_158 = tpu.memref_squeeze %dma_start3A_157 : memref<1x125x128xf32, #tpu.memory_space<vmem>> -> memref<125x128xf32, #tpu.memory_space<vmem>>
          %dma_start3A_159 = arith.constant 0 : i32
          %dma_start3A_160 = tpu.memref_slice %arg14[%add3A_52, %dma_start3A_159] : memref<75x125xi32, #tpu.memory_space<vmem>> -> memref<1x125xi32, #tpu.memory_space<vmem>>
          %dma_start3A_161 = tpu.memref_squeeze %dma_start3A_160 : memref<1x125xi32, #tpu.memory_space<vmem>> -> memref<125xi32, #tpu.memory_space<vmem>>
          %dma_start3A_162 = arith.constant 0 : i32
          %dma_start3A_163 = arith.constant 0 : i32
          %dma_start3A_164 = tpu.memref_slice %arg11[%dma_start3A_162, %dma_start3A_163] : memref<1000x128xf32, #tpu.memory_space<vmem_shared>> -> memref<1000x128xf32, #tpu.memory_space<vmem_shared>>
          tpu.enqueue_indirect_dma source(%dma_start3A_158 : memref<125x128xf32, #tpu.memory_space<vmem>>) target(%dma_start3A_164 : memref<1000x128xf32, #tpu.memory_space<vmem_shared>>) offsets(%dma_start3A_161 : memref<125xi32, #tpu.memory_space<vmem>>) semaphore(%run_scoped3A_155 : memref<!tpu.dma_semaphore, #tpu.memory_space<semaphore_mem>>) {add = true}
          %dma_wait3A_165 = arith.constant 0 : i32
          %dma_wait3A_166 = arith.constant 0 : i32
          %dma_wait3A_167 = tpu.memref_slice %arg16[%run_scoped3A, %dma_wait3A_165, %dma_wait3A_166] : memref<3x125x128xf32, #tpu.memory_space<vmem>> -> memref<1x125x128xf32, #tpu.memory_space<vmem>>
          %dma_wait3A_168 = tpu.memref_squeeze %dma_wait3A_167 : memref<1x125x128xf32, #tpu.memory_space<vmem>> -> memref<125x128xf32, #tpu.memory_space<vmem>>
          %dma_wait3A_169 = arith.constant 0 : i32
          %dma_wait3A_170 = tpu.memref_slice %arg14[%add3A_52, %dma_wait3A_169] : memref<75x125xi32, #tpu.memory_space<vmem>> -> memref<1x125xi32, #tpu.memory_space<vmem>>
          %dma_wait3A_171 = tpu.memref_squeeze %dma_wait3A_170 : memref<1x125xi32, #tpu.memory_space<vmem>> -> memref<125xi32, #tpu.memory_space<vmem>>
          %dma_wait3A_172 = arith.constant 0 : i32
          %dma_wait3A_173 = arith.constant 0 : i32
          %dma_wait3A_174 = tpu.memref_slice %arg11[%dma_wait3A_172, %dma_wait3A_173] : memref<1000x128xf32, #tpu.memory_space<vmem_shared>> -> memref<1000x128xf32, #tpu.memory_space<vmem_shared>>
          tpu.wait_indirect_dma semaphore(%run_scoped3A_155 : memref<!tpu.dma_semaphore, #tpu.memory_space<semaphore_mem>>) src(%dma_wait3A_168 : memref<125x128xf32, #tpu.memory_space<vmem>>) dst(%dma_wait3A_174 : memref<1000x128xf32, #tpu.memory_space<vmem_shared>>)
          tpu.yield
        }) : () -> ()
        %lt3A_73 = arith.constant 24 : i32
        %lt3A_74 = arith.cmpi slt, %scan3A_50, %lt3A_73 : i32
        %convert_element_type3A_75 = arith.extui %lt3A_74 : i1 to i32
        %cond3A_76 = arith.constant 0 : i32
        %cond3A_77 = arith.cmpi ne, %convert_element_type3A_75, %cond3A_76 : i32
        scf.if %cond3A_77 {
          %add3A_155 = arith.constant 3 : i32
          %add3A_156 = arith.addi %add3A_52, %add3A_155 : i32
          %mul3A_157 = arith.constant 9375 : i32
          %mul3A_158 = arith.muli %arg1, %mul3A_157 : i32
          %mul3A_159 = arith.constant 125 : i32
          %mul3A_160 = arith.muli %add3A_156, %mul3A_159 : i32
          %add3A_161 = arith.addi %mul3A_158, %mul3A_160 : i32
          %dma_start3A = arith.constant 0 : i32
          %dma_start3A_162 = arith.constant 0 : i32
          %dma_start3A_163 = arith.constant 0 : i32
          %dma_start3A_164 = arith.constant 0 : i32
          %dma_start3A_165 = tpu.memref_slice %arg16[%dma_start3A, %dma_start3A_163, %dma_start3A_164] : memref<3x125x128xf32, #tpu.memory_space<vmem>> -> memref<1x125x128xf32, #tpu.memory_space<vmem>>
          %dma_start3A_166 = tpu.memref_squeeze %dma_start3A_165 : memref<1x125x128xf32, #tpu.memory_space<vmem>> -> memref<125x128xf32, #tpu.memory_space<vmem>>
          %dma_start3A_167 = arith.constant 0 : i32
          %dma_start3A_168 = tpu.memref_slice %arg6[%add3A_161, %dma_start3A_167] : memref<150000x128xf32, #tpu.memory_space<hbm>> -> memref<125x128xf32, #tpu.memory_space<hbm>>
          %dma_start3A_169 = tpu.memref_slice %arg17[%dma_start3A_162] : memref<3x!tpu.dma_semaphore, #tpu.memory_space<semaphore_mem>> -> memref<1x!tpu.dma_semaphore, #tpu.memory_space<semaphore_mem>>
          %dma_start3A_170 = tpu.memref_squeeze %dma_start3A_169 : memref<1x!tpu.dma_semaphore, #tpu.memory_space<semaphore_mem>> -> memref<!tpu.dma_semaphore, #tpu.memory_space<semaphore_mem>>
          %dma_start3A_171 = arith.constant 0 : i32
          %dma_start3A_172 = arith.constant 0 : i32
          %dma_start3A_173 = tpu.memref_slice %arg16[%dma_start3A, %dma_start3A_171, %dma_start3A_172] : memref<3x125x128xf32, #tpu.memory_space<vmem>> -> memref<1x125x128xf32, #tpu.memory_space<vmem>>
          %dma_start3A_174 = tpu.memref_squeeze %dma_start3A_173 : memref<1x125x128xf32, #tpu.memory_space<vmem>> -> memref<125x128xf32, #tpu.memory_space<vmem>>
          %dma_start3A_175 = arith.constant 0 : i32
          %dma_start3A_176 = tpu.memref_slice %arg6[%add3A_161, %dma_start3A_175] : memref<150000x128xf32, #tpu.memory_space<hbm>> -> memref<125x128xf32, #tpu.memory_space<hbm>>
          tpu.enqueue_dma source(%dma_start3A_176 : memref<125x128xf32, #tpu.memory_space<hbm>>) target(%dma_start3A_174 : memref<125x128xf32, #tpu.memory_space<vmem>>) target_semaphore(%dma_start3A_170 : memref<!tpu.dma_semaphore, #tpu.memory_space<semaphore_mem>>)
        } else {
        }
        %eq3A_78 = arith.constant 24 : i32
        %eq3A_79 = arith.cmpi eq, %scan3A_50, %eq3A_78 : i32
        %convert_element_type3A_80 = arith.extui %eq3A_79 : i1 to i32
        %cond3A_81 = arith.constant 0 : i32
        %cond3A_82 = arith.cmpi ne, %convert_element_type3A_80, %cond3A_81 : i32
        scf.if %cond3A_82 {
          %mul3A_155 = arith.constant 9375 : i32
          %mul3A_156 = arith.muli %arg1, %mul3A_155 : i32
          %add3A_157 = arith.constant 0 : i32
          %add3A_158 = arith.addi %mul3A_156, %add3A_157 : i32
          %dma_start3A = arith.constant 0 : i32
          %dma_start3A_159 = arith.constant 0 : i32
          %dma_start3A_160 = arith.constant 0 : i32
          %dma_start3A_161 = arith.constant 0 : i32
          %dma_start3A_162 = tpu.memref_slice %arg16[%dma_start3A, %dma_start3A_160, %dma_start3A_161] : memref<3x125x128xf32, #tpu.memory_space<vmem>> -> memref<1x125x128xf32, #tpu.memory_space<vmem>>
          %dma_start3A_163 = tpu.memref_squeeze %dma_start3A_162 : memref<1x125x128xf32, #tpu.memory_space<vmem>> -> memref<125x128xf32, #tpu.memory_space<vmem>>
          %dma_start3A_164 = arith.constant 0 : i32
          %dma_start3A_165 = tpu.memref_slice %arg8[%add3A_158, %dma_start3A_164] : memref<150000x128xf32, #tpu.memory_space<hbm>> -> memref<125x128xf32, #tpu.memory_space<hbm>>
          %dma_start3A_166 = tpu.memref_slice %arg17[%dma_start3A_159] : memref<3x!tpu.dma_semaphore, #tpu.memory_space<semaphore_mem>> -> memref<1x!tpu.dma_semaphore, #tpu.memory_space<semaphore_mem>>
          %dma_start3A_167 = tpu.memref_squeeze %dma_start3A_166 : memref<1x!tpu.dma_semaphore, #tpu.memory_space<semaphore_mem>> -> memref<!tpu.dma_semaphore, #tpu.memory_space<semaphore_mem>>
          %dma_start3A_168 = arith.constant 0 : i32
          %dma_start3A_169 = arith.constant 0 : i32
          %dma_start3A_170 = tpu.memref_slice %arg16[%dma_start3A, %dma_start3A_168, %dma_start3A_169] : memref<3x125x128xf32, #tpu.memory_space<vmem>> -> memref<1x125x128xf32, #tpu.memory_space<vmem>>
          %dma_start3A_171 = tpu.memref_squeeze %dma_start3A_170 : memref<1x125x128xf32, #tpu.memory_space<vmem>> -> memref<125x128xf32, #tpu.memory_space<vmem>>
          %dma_start3A_172 = arith.constant 0 : i32
          %dma_start3A_173 = tpu.memref_slice %arg8[%add3A_158, %dma_start3A_172] : memref<150000x128xf32, #tpu.memory_space<hbm>> -> memref<125x128xf32, #tpu.memory_space<hbm>>
          tpu.enqueue_dma source(%dma_start3A_173 : memref<125x128xf32, #tpu.memory_space<hbm>>) target(%dma_start3A_171 : memref<125x128xf32, #tpu.memory_space<vmem>>) target_semaphore(%dma_start3A_167 : memref<!tpu.dma_semaphore, #tpu.memory_space<semaphore_mem>>)
        } else {
        }
        %mul3A_83 = arith.constant 3 : i32
        %mul3A_84 = arith.muli %scan3A_50, %mul3A_83 : i32
        %add3A_85 = arith.constant 1 : i32
        %add3A_86 = arith.addi %mul3A_84, %add3A_85 : i32
        %mul3A_87 = arith.constant 9375 : i32
        %mul3A_88 = arith.muli %arg1, %mul3A_87 : i32
        %mul3A_89 = arith.constant 125 : i32
        %mul3A_90 = arith.muli %add3A_86, %mul3A_89 : i32
        %add3A_91 = arith.addi %mul3A_88, %mul3A_90 : i32
        %dma_wait3A_92 = arith.constant 1 : i32
        %dma_wait3A_93 = arith.constant 1 : i32
        %dma_wait3A_94 = arith.constant 0 : i32
        %dma_wait3A_95 = arith.constant 0 : i32
        %dma_wait3A_96 = tpu.memref_slice %arg16[%dma_wait3A_92, %dma_wait3A_94, %dma_wait3A_95] : memref<3x125x128xf32, #tpu.memory_space<vmem>> -> memref<1x125x128xf32, #tpu.memory_space<vmem>>
        %dma_wait3A_97 = tpu.memref_squeeze %dma_wait3A_96 : memref<1x125x128xf32, #tpu.memory_space<vmem>> -> memref<125x128xf32, #tpu.memory_space<vmem>>
        %dma_wait3A_98 = arith.constant 0 : i32
        %dma_wait3A_99 = tpu.memref_slice %arg6[%add3A_91, %dma_wait3A_98] : memref<150000x128xf32, #tpu.memory_space<hbm>> -> memref<125x128xf32, #tpu.memory_space<hbm>>
        %dma_wait3A_100 = tpu.memref_slice %arg17[%dma_wait3A_93] : memref<3x!tpu.dma_semaphore, #tpu.memory_space<semaphore_mem>> -> memref<1x!tpu.dma_semaphore, #tpu.memory_space<semaphore_mem>>
        %dma_wait3A_101 = tpu.memref_squeeze %dma_wait3A_100 : memref<1x!tpu.dma_semaphore, #tpu.memory_space<semaphore_mem>> -> memref<!tpu.dma_semaphore, #tpu.memory_space<semaphore_mem>>
        %dma_wait3A_102 = arith.constant 0 : i32
        %dma_wait3A_103 = arith.constant 0 : i32
        %dma_wait3A_104 = tpu.memref_slice %arg16[%dma_wait3A_92, %dma_wait3A_102, %dma_wait3A_103] : memref<3x125x128xf32, #tpu.memory_space<vmem>> -> memref<1x125x128xf32, #tpu.memory_space<vmem>>
        %dma_wait3A_105 = tpu.memref_squeeze %dma_wait3A_104 : memref<1x125x128xf32, #tpu.memory_space<vmem>> -> memref<125x128xf32, #tpu.memory_space<vmem>>
        %dma_wait3A_106 = arith.constant 0 : i32
        %dma_wait3A_107 = tpu.memref_slice %arg6[%add3A_91, %dma_wait3A_106] : memref<150000x128xf32, #tpu.memory_space<hbm>> -> memref<125x128xf32, #tpu.memory_space<hbm>>
        tpu.wait_dma2 semaphore(%dma_wait3A_101 : memref<!tpu.dma_semaphore, #tpu.memory_space<semaphore_mem>>) src(%dma_wait3A_107 : memref<125x128xf32, #tpu.memory_space<hbm>>) dst(%dma_wait3A_105 : memref<125x128xf32, #tpu.memory_space<vmem>>)
        %run_scoped3A_108 = arith.constant 1 : i32
        "tpu.region"() ({
          %run_scoped3A_155 = tpu.sem_alloc : memref<!tpu.dma_semaphore, #tpu.memory_space<semaphore_mem>>
          %dma_start3A = arith.constant 0 : i32
          %dma_start3A_156 = arith.constant 0 : i32
          %dma_start3A_157 = tpu.memref_slice %arg16[%run_scoped3A_108, %dma_start3A, %dma_start3A_156] : memref<3x125x128xf32, #tpu.memory_space<vmem>> -> memref<1x125x128xf32, #tpu.memory_space<vmem>>
          %dma_start3A_158 = tpu.memref_squeeze %dma_start3A_157 : memref<1x125x128xf32, #tpu.memory_space<vmem>> -> memref<125x128xf32, #tpu.memory_space<vmem>>
          %dma_start3A_159 = arith.constant 0 : i32
          %dma_start3A_160 = tpu.memref_slice %arg14[%add3A_86, %dma_start3A_159] : memref<75x125xi32, #tpu.memory_space<vmem>> -> memref<1x125xi32, #tpu.memory_space<vmem>>
          %dma_start3A_161 = tpu.memref_squeeze %dma_start3A_160 : memref<1x125xi32, #tpu.memory_space<vmem>> -> memref<125xi32, #tpu.memory_space<vmem>>
          %dma_start3A_162 = arith.constant 0 : i32
          %dma_start3A_163 = arith.constant 0 : i32
          %dma_start3A_164 = tpu.memref_slice %arg11[%dma_start3A_162, %dma_start3A_163] : memref<1000x128xf32, #tpu.memory_space<vmem_shared>> -> memref<1000x128xf32, #tpu.memory_space<vmem_shared>>
          tpu.enqueue_indirect_dma source(%dma_start3A_158 : memref<125x128xf32, #tpu.memory_space<vmem>>) target(%dma_start3A_164 : memref<1000x128xf32, #tpu.memory_space<vmem_shared>>) offsets(%dma_start3A_161 : memref<125xi32, #tpu.memory_space<vmem>>) semaphore(%run_scoped3A_155 : memref<!tpu.dma_semaphore, #tpu.memory_space<semaphore_mem>>) {add = true}
          %dma_wait3A_165 = arith.constant 0 : i32
          %dma_wait3A_166 = arith.constant 0 : i32
          %dma_wait3A_167 = tpu.memref_slice %arg16[%run_scoped3A_108, %dma_wait3A_165, %dma_wait3A_166] : memref<3x125x128xf32, #tpu.memory_space<vmem>> -> memref<1x125x128xf32, #tpu.memory_space<vmem>>
          %dma_wait3A_168 = tpu.memref_squeeze %dma_wait3A_167 : memref<1x125x128xf32, #tpu.memory_space<vmem>> -> memref<125x128xf32, #tpu.memory_space<vmem>>
          %dma_wait3A_169 = arith.constant 0 : i32
          %dma_wait3A_170 = tpu.memref_slice %arg14[%add3A_86, %dma_wait3A_169] : memref<75x125xi32, #tpu.memory_space<vmem>> -> memref<1x125xi32, #tpu.memory_space<vmem>>
          %dma_wait3A_171 = tpu.memref_squeeze %dma_wait3A_170 : memref<1x125xi32, #tpu.memory_space<vmem>> -> memref<125xi32, #tpu.memory_space<vmem>>
          %dma_wait3A_172 = arith.constant 0 : i32
          %dma_wait3A_173 = arith.constant 0 : i32
          %dma_wait3A_174 = tpu.memref_slice %arg11[%dma_wait3A_172, %dma_wait3A_173] : memref<1000x128xf32, #tpu.memory_space<vmem_shared>> -> memref<1000x128xf32, #tpu.memory_space<vmem_shared>>
          tpu.wait_indirect_dma semaphore(%run_scoped3A_155 : memref<!tpu.dma_semaphore, #tpu.memory_space<semaphore_mem>>) src(%dma_wait3A_168 : memref<125x128xf32, #tpu.memory_space<vmem>>) dst(%dma_wait3A_174 : memref<1000x128xf32, #tpu.memory_space<vmem_shared>>)
          tpu.yield
        }) : () -> ()
        %lt3A_109 = arith.constant 24 : i32
        %lt3A_110 = arith.cmpi slt, %scan3A_50, %lt3A_109 : i32
        %convert_element_type3A_111 = arith.extui %lt3A_110 : i1 to i32
        %cond3A_112 = arith.constant 0 : i32
        %cond3A_113 = arith.cmpi ne, %convert_element_type3A_111, %cond3A_112 : i32
        scf.if %cond3A_113 {
          %add3A_155 = arith.constant 3 : i32
          %add3A_156 = arith.addi %add3A_86, %add3A_155 : i32
          %mul3A_157 = arith.constant 9375 : i32
          %mul3A_158 = arith.muli %arg1, %mul3A_157 : i32
          %mul3A_159 = arith.constant 125 : i32
          %mul3A_160 = arith.muli %add3A_156, %mul3A_159 : i32
          %add3A_161 = arith.addi %mul3A_158, %mul3A_160 : i32
          %dma_start3A = arith.constant 1 : i32
          %dma_start3A_162 = arith.constant 1 : i32
          %dma_start3A_163 = arith.constant 0 : i32
          %dma_start3A_164 = arith.constant 0 : i32
          %dma_start3A_165 = tpu.memref_slice %arg16[%dma_start3A, %dma_start3A_163, %dma_start3A_164] : memref<3x125x128xf32, #tpu.memory_space<vmem>> -> memref<1x125x128xf32, #tpu.memory_space<vmem>>
          %dma_start3A_166 = tpu.memref_squeeze %dma_start3A_165 : memref<1x125x128xf32, #tpu.memory_space<vmem>> -> memref<125x128xf32, #tpu.memory_space<vmem>>
          %dma_start3A_167 = arith.constant 0 : i32
          %dma_start3A_168 = tpu.memref_slice %arg6[%add3A_161, %dma_start3A_167] : memref<150000x128xf32, #tpu.memory_space<hbm>> -> memref<125x128xf32, #tpu.memory_space<hbm>>
          %dma_start3A_169 = tpu.memref_slice %arg17[%dma_start3A_162] : memref<3x!tpu.dma_semaphore, #tpu.memory_space<semaphore_mem>> -> memref<1x!tpu.dma_semaphore, #tpu.memory_space<semaphore_mem>>
          %dma_start3A_170 = tpu.memref_squeeze %dma_start3A_169 : memref<1x!tpu.dma_semaphore, #tpu.memory_space<semaphore_mem>> -> memref<!tpu.dma_semaphore, #tpu.memory_space<semaphore_mem>>
          %dma_start3A_171 = arith.constant 0 : i32
          %dma_start3A_172 = arith.constant 0 : i32
          %dma_start3A_173 = tpu.memref_slice %arg16[%dma_start3A, %dma_start3A_171, %dma_start3A_172] : memref<3x125x128xf32, #tpu.memory_space<vmem>> -> memref<1x125x128xf32, #tpu.memory_space<vmem>>
          %dma_start3A_174 = tpu.memref_squeeze %dma_start3A_173 : memref<1x125x128xf32, #tpu.memory_space<vmem>> -> memref<125x128xf32, #tpu.memory_space<vmem>>
          %dma_start3A_175 = arith.constant 0 : i32
          %dma_start3A_176 = tpu.memref_slice %arg6[%add3A_161, %dma_start3A_175] : memref<150000x128xf32, #tpu.memory_space<hbm>> -> memref<125x128xf32, #tpu.memory_space<hbm>>
          tpu.enqueue_dma source(%dma_start3A_176 : memref<125x128xf32, #tpu.memory_space<hbm>>) target(%dma_start3A_174 : memref<125x128xf32, #tpu.memory_space<vmem>>) target_semaphore(%dma_start3A_170 : memref<!tpu.dma_semaphore, #tpu.memory_space<semaphore_mem>>)
        } else {
        }
        %eq3A_114 = arith.constant 24 : i32
        %eq3A_115 = arith.cmpi eq, %scan3A_50, %eq3A_114 : i32
        %convert_element_type3A_116 = arith.extui %eq3A_115 : i1 to i32
        %cond3A_117 = arith.constant 0 : i32
        %cond3A_118 = arith.cmpi ne, %convert_element_type3A_116, %cond3A_117 : i32
        scf.if %cond3A_118 {
          %mul3A_155 = arith.constant 9375 : i32
          %mul3A_156 = arith.muli %arg1, %mul3A_155 : i32
          %add3A_157 = arith.constant 125 : i32
          %add3A_158 = arith.addi %mul3A_156, %add3A_157 : i32
          %dma_start3A = arith.constant 1 : i32
          %dma_start3A_159 = arith.constant 1 : i32
          %dma_start3A_160 = arith.constant 0 : i32
          %dma_start3A_161 = arith.constant 0 : i32
          %dma_start3A_162 = tpu.memref_slice %arg16[%dma_start3A, %dma_start3A_160, %dma_start3A_161] : memref<3x125x128xf32, #tpu.memory_space<vmem>> -> memref<1x125x128xf32, #tpu.memory_space<vmem>>
          %dma_start3A_163 = tpu.memref_squeeze %dma_start3A_162 : memref<1x125x128xf32, #tpu.memory_space<vmem>> -> memref<125x128xf32, #tpu.memory_space<vmem>>
          %dma_start3A_164 = arith.constant 0 : i32
          %dma_start3A_165 = tpu.memref_slice %arg8[%add3A_158, %dma_start3A_164] : memref<150000x128xf32, #tpu.memory_space<hbm>> -> memref<125x128xf32, #tpu.memory_space<hbm>>
          %dma_start3A_166 = tpu.memref_slice %arg17[%dma_start3A_159] : memref<3x!tpu.dma_semaphore, #tpu.memory_space<semaphore_mem>> -> memref<1x!tpu.dma_semaphore, #tpu.memory_space<semaphore_mem>>
          %dma_start3A_167 = tpu.memref_squeeze %dma_start3A_166 : memref<1x!tpu.dma_semaphore, #tpu.memory_space<semaphore_mem>> -> memref<!tpu.dma_semaphore, #tpu.memory_space<semaphore_mem>>
          %dma_start3A_168 = arith.constant 0 : i32
          %dma_start3A_169 = arith.constant 0 : i32
          %dma_start3A_170 = tpu.memref_slice %arg16[%dma_start3A, %dma_start3A_168, %dma_start3A_169] : memref<3x125x128xf32, #tpu.memory_space<vmem>> -> memref<1x125x128xf32, #tpu.memory_space<vmem>>
          %dma_start3A_171 = tpu.memref_squeeze %dma_start3A_170 : memref<1x125x128xf32, #tpu.memory_space<vmem>> -> memref<125x128xf32, #tpu.memory_space<vmem>>
          %dma_start3A_172 = arith.constant 0 : i32
          %dma_start3A_173 = tpu.memref_slice %arg8[%add3A_158, %dma_start3A_172] : memref<150000x128xf32, #tpu.memory_space<hbm>> -> memref<125x128xf32, #tpu.memory_space<hbm>>
          tpu.enqueue_dma source(%dma_start3A_173 : memref<125x128xf32, #tpu.memory_space<hbm>>) target(%dma_start3A_171 : memref<125x128xf32, #tpu.memory_space<vmem>>) target_semaphore(%dma_start3A_167 : memref<!tpu.dma_semaphore, #tpu.memory_space<semaphore_mem>>)
        } else {
        }
        %mul3A_119 = arith.constant 3 : i32
        %mul3A_120 = arith.muli %scan3A_50, %mul3A_119 : i32
        %add3A_121 = arith.constant 2 : i32
        %add3A_122 = arith.addi %mul3A_120, %add3A_121 : i32
        %mul3A_123 = arith.constant 9375 : i32
        %mul3A_124 = arith.muli %arg1, %mul3A_123 : i32
        %mul3A_125 = arith.constant 125 : i32
        %mul3A_126 = arith.muli %add3A_122, %mul3A_125 : i32
        %add3A_127 = arith.addi %mul3A_124, %mul3A_126 : i32
        %dma_wait3A_128 = arith.constant 2 : i32
        %dma_wait3A_129 = arith.constant 2 : i32
        %dma_wait3A_130 = arith.constant 0 : i32
        %dma_wait3A_131 = arith.constant 0 : i32
        %dma_wait3A_132 = tpu.memref_slice %arg16[%dma_wait3A_128, %dma_wait3A_130, %dma_wait3A_131] : memref<3x125x128xf32, #tpu.memory_space<vmem>> -> memref<1x125x128xf32, #tpu.memory_space<vmem>>
        %dma_wait3A_133 = tpu.memref_squeeze %dma_wait3A_132 : memref<1x125x128xf32, #tpu.memory_space<vmem>> -> memref<125x128xf32, #tpu.memory_space<vmem>>
        %dma_wait3A_134 = arith.constant 0 : i32
        %dma_wait3A_135 = tpu.memref_slice %arg6[%add3A_127, %dma_wait3A_134] : memref<150000x128xf32, #tpu.memory_space<hbm>> -> memref<125x128xf32, #tpu.memory_space<hbm>>
        %dma_wait3A_136 = tpu.memref_slice %arg17[%dma_wait3A_129] : memref<3x!tpu.dma_semaphore, #tpu.memory_space<semaphore_mem>> -> memref<1x!tpu.dma_semaphore, #tpu.memory_space<semaphore_mem>>
        %dma_wait3A_137 = tpu.memref_squeeze %dma_wait3A_136 : memref<1x!tpu.dma_semaphore, #tpu.memory_space<semaphore_mem>> -> memref<!tpu.dma_semaphore, #tpu.memory_space<semaphore_mem>>
        %dma_wait3A_138 = arith.constant 0 : i32
        %dma_wait3A_139 = arith.constant 0 : i32
        %dma_wait3A_140 = tpu.memref_slice %arg16[%dma_wait3A_128, %dma_wait3A_138, %dma_wait3A_139] : memref<3x125x128xf32, #tpu.memory_space<vmem>> -> memref<1x125x128xf32, #tpu.memory_space<vmem>>
        %dma_wait3A_141 = tpu.memref_squeeze %dma_wait3A_140 : memref<1x125x128xf32, #tpu.memory_space<vmem>> -> memref<125x128xf32, #tpu.memory_space<vmem>>
        %dma_wait3A_142 = arith.constant 0 : i32
        %dma_wait3A_143 = tpu.memref_slice %arg6[%add3A_127, %dma_wait3A_142] : memref<150000x128xf32, #tpu.memory_space<hbm>> -> memref<125x128xf32, #tpu.memory_space<hbm>>
        tpu.wait_dma2 semaphore(%dma_wait3A_137 : memref<!tpu.dma_semaphore, #tpu.memory_space<semaphore_mem>>) src(%dma_wait3A_143 : memref<125x128xf32, #tpu.memory_space<hbm>>) dst(%dma_wait3A_141 : memref<125x128xf32, #tpu.memory_space<vmem>>)
        %run_scoped3A_144 = arith.constant 2 : i32
        "tpu.region"() ({
          %run_scoped3A_155 = tpu.sem_alloc : memref<!tpu.dma_semaphore, #tpu.memory_space<semaphore_mem>>
          %dma_start3A = arith.constant 0 : i32
          %dma_start3A_156 = arith.constant 0 : i32
          %dma_start3A_157 = tpu.memref_slice %arg16[%run_scoped3A_144, %dma_start3A, %dma_start3A_156] : memref<3x125x128xf32, #tpu.memory_space<vmem>> -> memref<1x125x128xf32, #tpu.memory_space<vmem>>
          %dma_start3A_158 = tpu.memref_squeeze %dma_start3A_157 : memref<1x125x128xf32, #tpu.memory_space<vmem>> -> memref<125x128xf32, #tpu.memory_space<vmem>>
          %dma_start3A_159 = arith.constant 0 : i32
          %dma_start3A_160 = tpu.memref_slice %arg14[%add3A_122, %dma_start3A_159] : memref<75x125xi32, #tpu.memory_space<vmem>> -> memref<1x125xi32, #tpu.memory_space<vmem>>
          %dma_start3A_161 = tpu.memref_squeeze %dma_start3A_160 : memref<1x125xi32, #tpu.memory_space<vmem>> -> memref<125xi32, #tpu.memory_space<vmem>>
          %dma_start3A_162 = arith.constant 0 : i32
          %dma_start3A_163 = arith.constant 0 : i32
          %dma_start3A_164 = tpu.memref_slice %arg11[%dma_start3A_162, %dma_start3A_163] : memref<1000x128xf32, #tpu.memory_space<vmem_shared>> -> memref<1000x128xf32, #tpu.memory_space<vmem_shared>>
          tpu.enqueue_indirect_dma source(%dma_start3A_158 : memref<125x128xf32, #tpu.memory_space<vmem>>) target(%dma_start3A_164 : memref<1000x128xf32, #tpu.memory_space<vmem_shared>>) offsets(%dma_start3A_161 : memref<125xi32, #tpu.memory_space<vmem>>) semaphore(%run_scoped3A_155 : memref<!tpu.dma_semaphore, #tpu.memory_space<semaphore_mem>>) {add = true}
          %dma_wait3A_165 = arith.constant 0 : i32
          %dma_wait3A_166 = arith.constant 0 : i32
          %dma_wait3A_167 = tpu.memref_slice %arg16[%run_scoped3A_144, %dma_wait3A_165, %dma_wait3A_166] : memref<3x125x128xf32, #tpu.memory_space<vmem>> -> memref<1x125x128xf32, #tpu.memory_space<vmem>>
          %dma_wait3A_168 = tpu.memref_squeeze %dma_wait3A_167 : memref<1x125x128xf32, #tpu.memory_space<vmem>> -> memref<125x128xf32, #tpu.memory_space<vmem>>
          %dma_wait3A_169 = arith.constant 0 : i32
          %dma_wait3A_170 = tpu.memref_slice %arg14[%add3A_122, %dma_wait3A_169] : memref<75x125xi32, #tpu.memory_space<vmem>> -> memref<1x125xi32, #tpu.memory_space<vmem>>
          %dma_wait3A_171 = tpu.memref_squeeze %dma_wait3A_170 : memref<1x125xi32, #tpu.memory_space<vmem>> -> memref<125xi32, #tpu.memory_space<vmem>>
          %dma_wait3A_172 = arith.constant 0 : i32
          %dma_wait3A_173 = arith.constant 0 : i32
          %dma_wait3A_174 = tpu.memref_slice %arg11[%dma_wait3A_172, %dma_wait3A_173] : memref<1000x128xf32, #tpu.memory_space<vmem_shared>> -> memref<1000x128xf32, #tpu.memory_space<vmem_shared>>
          tpu.wait_indirect_dma semaphore(%run_scoped3A_155 : memref<!tpu.dma_semaphore, #tpu.memory_space<semaphore_mem>>) src(%dma_wait3A_168 : memref<125x128xf32, #tpu.memory_space<vmem>>) dst(%dma_wait3A_174 : memref<1000x128xf32, #tpu.memory_space<vmem_shared>>)
          tpu.yield
        }) : () -> ()
        %lt3A_145 = arith.constant 24 : i32
        %lt3A_146 = arith.cmpi slt, %scan3A_50, %lt3A_145 : i32
        %convert_element_type3A_147 = arith.extui %lt3A_146 : i1 to i32
        %cond3A_148 = arith.constant 0 : i32
        %cond3A_149 = arith.cmpi ne, %convert_element_type3A_147, %cond3A_148 : i32
        scf.if %cond3A_149 {
          %add3A_155 = arith.constant 3 : i32
          %add3A_156 = arith.addi %add3A_122, %add3A_155 : i32
          %mul3A_157 = arith.constant 9375 : i32
          %mul3A_158 = arith.muli %arg1, %mul3A_157 : i32
          %mul3A_159 = arith.constant 125 : i32
          %mul3A_160 = arith.muli %add3A_156, %mul3A_159 : i32
          %add3A_161 = arith.addi %mul3A_158, %mul3A_160 : i32
          %dma_start3A = arith.constant 2 : i32
          %dma_start3A_162 = arith.constant 2 : i32
          %dma_start3A_163 = arith.constant 0 : i32
          %dma_start3A_164 = arith.constant 0 : i32
          %dma_start3A_165 = tpu.memref_slice %arg16[%dma_start3A, %dma_start3A_163, %dma_start3A_164] : memref<3x125x128xf32, #tpu.memory_space<vmem>> -> memref<1x125x128xf32, #tpu.memory_space<vmem>>
          %dma_start3A_166 = tpu.memref_squeeze %dma_start3A_165 : memref<1x125x128xf32, #tpu.memory_space<vmem>> -> memref<125x128xf32, #tpu.memory_space<vmem>>
          %dma_start3A_167 = arith.constant 0 : i32
          %dma_start3A_168 = tpu.memref_slice %arg6[%add3A_161, %dma_start3A_167] : memref<150000x128xf32, #tpu.memory_space<hbm>> -> memref<125x128xf32, #tpu.memory_space<hbm>>
          %dma_start3A_169 = tpu.memref_slice %arg17[%dma_start3A_162] : memref<3x!tpu.dma_semaphore, #tpu.memory_space<semaphore_mem>> -> memref<1x!tpu.dma_semaphore, #tpu.memory_space<semaphore_mem>>
          %dma_start3A_170 = tpu.memref_squeeze %dma_start3A_169 : memref<1x!tpu.dma_semaphore, #tpu.memory_space<semaphore_mem>> -> memref<!tpu.dma_semaphore, #tpu.memory_space<semaphore_mem>>
          %dma_start3A_171 = arith.constant 0 : i32
          %dma_start3A_172 = arith.constant 0 : i32
          %dma_start3A_173 = tpu.memref_slice %arg16[%dma_start3A, %dma_start3A_171, %dma_start3A_172] : memref<3x125x128xf32, #tpu.memory_space<vmem>> -> memref<1x125x128xf32, #tpu.memory_space<vmem>>
          %dma_start3A_174 = tpu.memref_squeeze %dma_start3A_173 : memref<1x125x128xf32, #tpu.memory_space<vmem>> -> memref<125x128xf32, #tpu.memory_space<vmem>>
          %dma_start3A_175 = arith.constant 0 : i32
          %dma_start3A_176 = tpu.memref_slice %arg6[%add3A_161, %dma_start3A_175] : memref<150000x128xf32, #tpu.memory_space<hbm>> -> memref<125x128xf32, #tpu.memory_space<hbm>>
          tpu.enqueue_dma source(%dma_start3A_176 : memref<125x128xf32, #tpu.memory_space<hbm>>) target(%dma_start3A_174 : memref<125x128xf32, #tpu.memory_space<vmem>>) target_semaphore(%dma_start3A_170 : memref<!tpu.dma_semaphore, #tpu.memory_space<semaphore_mem>>)
        } else {
        }
        %eq3A_150 = arith.constant 24 : i32
        %eq3A_151 = arith.cmpi eq, %scan3A_50, %eq3A_150 : i32
        %convert_element_type3A_152 = arith.extui %eq3A_151 : i1 to i32
        %cond3A_153 = arith.constant 0 : i32
        %cond3A_154 = arith.cmpi ne, %convert_element_type3A_152, %cond3A_153 : i32
        scf.if %cond3A_154 {
          %mul3A_155 = arith.constant 9375 : i32
          %mul3A_156 = arith.muli %arg1, %mul3A_155 : i32
          %add3A_157 = arith.constant 250 : i32
          %add3A_158 = arith.addi %mul3A_156, %add3A_157 : i32
          %dma_start3A = arith.constant 2 : i32
          %dma_start3A_159 = arith.constant 2 : i32
          %dma_start3A_160 = arith.constant 0 : i32
          %dma_start3A_161 = arith.constant 0 : i32
          %dma_start3A_162 = tpu.memref_slice %arg16[%dma_start3A, %dma_start3A_160, %dma_start3A_161] : memref<3x125x128xf32, #tpu.memory_space<vmem>> -> memref<1x125x128xf32, #tpu.memory_space<vmem>>
          %dma_start3A_163 = tpu.memref_squeeze %dma_start3A_162 : memref<1x125x128xf32, #tpu.memory_space<vmem>> -> memref<125x128xf32, #tpu.memory_space<vmem>>
          %dma_start3A_164 = arith.constant 0 : i32
          %dma_start3A_165 = tpu.memref_slice %arg8[%add3A_158, %dma_start3A_164] : memref<150000x128xf32, #tpu.memory_space<hbm>> -> memref<125x128xf32, #tpu.memory_space<hbm>>
          %dma_start3A_166 = tpu.memref_slice %arg17[%dma_start3A_159] : memref<3x!tpu.dma_semaphore, #tpu.memory_space<semaphore_mem>> -> memref<1x!tpu.dma_semaphore, #tpu.memory_space<semaphore_mem>>
          %dma_start3A_167 = tpu.memref_squeeze %dma_start3A_166 : memref<1x!tpu.dma_semaphore, #tpu.memory_space<semaphore_mem>> -> memref<!tpu.dma_semaphore, #tpu.memory_space<semaphore_mem>>
          %dma_start3A_168 = arith.constant 0 : i32
          %dma_start3A_169 = arith.constant 0 : i32
          %dma_start3A_170 = tpu.memref_slice %arg16[%dma_start3A, %dma_start3A_168, %dma_start3A_169] : memref<3x125x128xf32, #tpu.memory_space<vmem>> -> memref<1x125x128xf32, #tpu.memory_space<vmem>>
          %dma_start3A_171 = tpu.memref_squeeze %dma_start3A_170 : memref<1x125x128xf32, #tpu.memory_space<vmem>> -> memref<125x128xf32, #tpu.memory_space<vmem>>
          %dma_start3A_172 = arith.constant 0 : i32
          %dma_start3A_173 = tpu.memref_slice %arg8[%add3A_158, %dma_start3A_172] : memref<150000x128xf32, #tpu.memory_space<hbm>> -> memref<125x128xf32, #tpu.memory_space<hbm>>
          tpu.enqueue_dma source(%dma_start3A_173 : memref<125x128xf32, #tpu.memory_space<hbm>>) target(%dma_start3A_171 : memref<125x128xf32, #tpu.memory_space<vmem>>) target_semaphore(%dma_start3A_167 : memref<!tpu.dma_semaphore, #tpu.memory_space<semaphore_mem>>)
        } else {
        }
      }
      %scan3A_44 = arith.constant 25 : i32
      %scan3A_45 = arith.constant 0 : i32
      %scan3A_46 = arith.constant 25 : i32
      %scan3A_47 = arith.addi %scan3A_45, %scan3A_46 : i32
      %scan3A_48 = arith.constant 1 : i32
      scf.for %scan3A_50 = %scan3A_45 to %scan3A_47 step %scan3A_48  : i32 {
        %mul3A = arith.constant 3 : i32
        %mul3A_51 = arith.muli %scan3A_50, %mul3A : i32
        %add3A = arith.constant 0 : i32
        %add3A_52 = arith.addi %mul3A_51, %add3A : i32
        %mul3A_53 = arith.constant 9375 : i32
        %mul3A_54 = arith.muli %arg1, %mul3A_53 : i32
        %mul3A_55 = arith.constant 125 : i32
        %mul3A_56 = arith.muli %add3A_52, %mul3A_55 : i32
        %add3A_57 = arith.addi %mul3A_54, %mul3A_56 : i32
        %dma_wait3A = arith.constant 0 : i32
        %dma_wait3A_58 = arith.constant 0 : i32
        %dma_wait3A_59 = arith.constant 0 : i32
        %dma_wait3A_60 = arith.constant 0 : i32
        %dma_wait3A_61 = tpu.memref_slice %arg16[%dma_wait3A, %dma_wait3A_59, %dma_wait3A_60] : memref<3x125x128xf32, #tpu.memory_space<vmem>> -> memref<1x125x128xf32, #tpu.memory_space<vmem>>
        %dma_wait3A_62 = tpu.memref_squeeze %dma_wait3A_61 : memref<1x125x128xf32, #tpu.memory_space<vmem>> -> memref<125x128xf32, #tpu.memory_space<vmem>>
        %dma_wait3A_63 = arith.constant 0 : i32
        %dma_wait3A_64 = tpu.memref_slice %arg8[%add3A_57, %dma_wait3A_63] : memref<150000x128xf32, #tpu.memory_space<hbm>> -> memref<125x128xf32, #tpu.memory_space<hbm>>
        %dma_wait3A_65 = tpu.memref_slice %arg17[%dma_wait3A_58] : memref<3x!tpu.dma_semaphore, #tpu.memory_space<semaphore_mem>> -> memref<1x!tpu.dma_semaphore, #tpu.memory_space<semaphore_mem>>
        %dma_wait3A_66 = tpu.memref_squeeze %dma_wait3A_65 : memref<1x!tpu.dma_semaphore, #tpu.memory_space<semaphore_mem>> -> memref<!tpu.dma_semaphore, #tpu.memory_space<semaphore_mem>>
        %dma_wait3A_67 = arith.constant 0 : i32
        %dma_wait3A_68 = arith.constant 0 : i32
        %dma_wait3A_69 = tpu.memref_slice %arg16[%dma_wait3A, %dma_wait3A_67, %dma_wait3A_68] : memref<3x125x128xf32, #tpu.memory_space<vmem>> -> memref<1x125x128xf32, #tpu.memory_space<vmem>>
        %dma_wait3A_70 = tpu.memref_squeeze %dma_wait3A_69 : memref<1x125x128xf32, #tpu.memory_space<vmem>> -> memref<125x128xf32, #tpu.memory_space<vmem>>
        %dma_wait3A_71 = arith.constant 0 : i32
        %dma_wait3A_72 = tpu.memref_slice %arg8[%add3A_57, %dma_wait3A_71] : memref<150000x128xf32, #tpu.memory_space<hbm>> -> memref<125x128xf32, #tpu.memory_space<hbm>>
        tpu.wait_dma2 semaphore(%dma_wait3A_66 : memref<!tpu.dma_semaphore, #tpu.memory_space<semaphore_mem>>) src(%dma_wait3A_72 : memref<125x128xf32, #tpu.memory_space<hbm>>) dst(%dma_wait3A_70 : memref<125x128xf32, #tpu.memory_space<vmem>>)
        %run_scoped3A = arith.constant 0 : i32
        "tpu.region"() ({
          %run_scoped3A_140 = tpu.sem_alloc : memref<!tpu.dma_semaphore, #tpu.memory_space<semaphore_mem>>
          %dma_start3A = arith.constant 0 : i32
          %dma_start3A_141 = arith.constant 0 : i32
          %dma_start3A_142 = tpu.memref_slice %arg16[%run_scoped3A, %dma_start3A, %dma_start3A_141] : memref<3x125x128xf32, #tpu.memory_space<vmem>> -> memref<1x125x128xf32, #tpu.memory_space<vmem>>
          %dma_start3A_143 = tpu.memref_squeeze %dma_start3A_142 : memref<1x125x128xf32, #tpu.memory_space<vmem>> -> memref<125x128xf32, #tpu.memory_space<vmem>>
          %dma_start3A_144 = arith.constant 0 : i32
          %dma_start3A_145 = tpu.memref_slice %arg15[%add3A_52, %dma_start3A_144] : memref<75x125xi32, #tpu.memory_space<vmem>> -> memref<1x125xi32, #tpu.memory_space<vmem>>
          %dma_start3A_146 = tpu.memref_squeeze %dma_start3A_145 : memref<1x125xi32, #tpu.memory_space<vmem>> -> memref<125xi32, #tpu.memory_space<vmem>>
          %dma_start3A_147 = arith.constant 0 : i32
          %dma_start3A_148 = arith.constant 0 : i32
          %dma_start3A_149 = tpu.memref_slice %arg12[%dma_start3A_147, %dma_start3A_148] : memref<1000x128xf32, #tpu.memory_space<vmem_shared>> -> memref<1000x128xf32, #tpu.memory_space<vmem_shared>>
          tpu.enqueue_indirect_dma source(%dma_start3A_143 : memref<125x128xf32, #tpu.memory_space<vmem>>) target(%dma_start3A_149 : memref<1000x128xf32, #tpu.memory_space<vmem_shared>>) offsets(%dma_start3A_146 : memref<125xi32, #tpu.memory_space<vmem>>) semaphore(%run_scoped3A_140 : memref<!tpu.dma_semaphore, #tpu.memory_space<semaphore_mem>>) {add = true}
          %dma_wait3A_150 = arith.constant 0 : i32
          %dma_wait3A_151 = arith.constant 0 : i32
          %dma_wait3A_152 = tpu.memref_slice %arg16[%run_scoped3A, %dma_wait3A_150, %dma_wait3A_151] : memref<3x125x128xf32, #tpu.memory_space<vmem>> -> memref<1x125x128xf32, #tpu.memory_space<vmem>>
          %dma_wait3A_153 = tpu.memref_squeeze %dma_wait3A_152 : memref<1x125x128xf32, #tpu.memory_space<vmem>> -> memref<125x128xf32, #tpu.memory_space<vmem>>
          %dma_wait3A_154 = arith.constant 0 : i32
          %dma_wait3A_155 = tpu.memref_slice %arg15[%add3A_52, %dma_wait3A_154] : memref<75x125xi32, #tpu.memory_space<vmem>> -> memref<1x125xi32, #tpu.memory_space<vmem>>
          %dma_wait3A_156 = tpu.memref_squeeze %dma_wait3A_155 : memref<1x125xi32, #tpu.memory_space<vmem>> -> memref<125xi32, #tpu.memory_space<vmem>>
          %dma_wait3A_157 = arith.constant 0 : i32
          %dma_wait3A_158 = arith.constant 0 : i32
          %dma_wait3A_159 = tpu.memref_slice %arg12[%dma_wait3A_157, %dma_wait3A_158] : memref<1000x128xf32, #tpu.memory_space<vmem_shared>> -> memref<1000x128xf32, #tpu.memory_space<vmem_shared>>
          tpu.wait_indirect_dma semaphore(%run_scoped3A_140 : memref<!tpu.dma_semaphore, #tpu.memory_space<semaphore_mem>>) src(%dma_wait3A_153 : memref<125x128xf32, #tpu.memory_space<vmem>>) dst(%dma_wait3A_159 : memref<1000x128xf32, #tpu.memory_space<vmem_shared>>)
          tpu.yield
        }) : () -> ()
        %lt3A_73 = arith.constant 24 : i32
        %lt3A_74 = arith.cmpi slt, %scan3A_50, %lt3A_73 : i32
        %convert_element_type3A_75 = arith.extui %lt3A_74 : i1 to i32
        %cond3A_76 = arith.constant 0 : i32
        %cond3A_77 = arith.cmpi ne, %convert_element_type3A_75, %cond3A_76 : i32
        scf.if %cond3A_77 {
          %add3A_140 = arith.constant 3 : i32
          %add3A_141 = arith.addi %add3A_52, %add3A_140 : i32
          %mul3A_142 = arith.constant 9375 : i32
          %mul3A_143 = arith.muli %arg1, %mul3A_142 : i32
          %mul3A_144 = arith.constant 125 : i32
          %mul3A_145 = arith.muli %add3A_141, %mul3A_144 : i32
          %add3A_146 = arith.addi %mul3A_143, %mul3A_145 : i32
          %dma_start3A = arith.constant 0 : i32
          %dma_start3A_147 = arith.constant 0 : i32
          %dma_start3A_148 = arith.constant 0 : i32
          %dma_start3A_149 = arith.constant 0 : i32
          %dma_start3A_150 = tpu.memref_slice %arg16[%dma_start3A, %dma_start3A_148, %dma_start3A_149] : memref<3x125x128xf32, #tpu.memory_space<vmem>> -> memref<1x125x128xf32, #tpu.memory_space<vmem>>
          %dma_start3A_151 = tpu.memref_squeeze %dma_start3A_150 : memref<1x125x128xf32, #tpu.memory_space<vmem>> -> memref<125x128xf32, #tpu.memory_space<vmem>>
          %dma_start3A_152 = arith.constant 0 : i32
          %dma_start3A_153 = tpu.memref_slice %arg8[%add3A_146, %dma_start3A_152] : memref<150000x128xf32, #tpu.memory_space<hbm>> -> memref<125x128xf32, #tpu.memory_space<hbm>>
          %dma_start3A_154 = tpu.memref_slice %arg17[%dma_start3A_147] : memref<3x!tpu.dma_semaphore, #tpu.memory_space<semaphore_mem>> -> memref<1x!tpu.dma_semaphore, #tpu.memory_space<semaphore_mem>>
          %dma_start3A_155 = tpu.memref_squeeze %dma_start3A_154 : memref<1x!tpu.dma_semaphore, #tpu.memory_space<semaphore_mem>> -> memref<!tpu.dma_semaphore, #tpu.memory_space<semaphore_mem>>
          %dma_start3A_156 = arith.constant 0 : i32
          %dma_start3A_157 = arith.constant 0 : i32
          %dma_start3A_158 = tpu.memref_slice %arg16[%dma_start3A, %dma_start3A_156, %dma_start3A_157] : memref<3x125x128xf32, #tpu.memory_space<vmem>> -> memref<1x125x128xf32, #tpu.memory_space<vmem>>
          %dma_start3A_159 = tpu.memref_squeeze %dma_start3A_158 : memref<1x125x128xf32, #tpu.memory_space<vmem>> -> memref<125x128xf32, #tpu.memory_space<vmem>>
          %dma_start3A_160 = arith.constant 0 : i32
          %dma_start3A_161 = tpu.memref_slice %arg8[%add3A_146, %dma_start3A_160] : memref<150000x128xf32, #tpu.memory_space<hbm>> -> memref<125x128xf32, #tpu.memory_space<hbm>>
          tpu.enqueue_dma source(%dma_start3A_161 : memref<125x128xf32, #tpu.memory_space<hbm>>) target(%dma_start3A_159 : memref<125x128xf32, #tpu.memory_space<vmem>>) target_semaphore(%dma_start3A_155 : memref<!tpu.dma_semaphore, #tpu.memory_space<semaphore_mem>>)
        } else {
        }
        %mul3A_78 = arith.constant 3 : i32
        %mul3A_79 = arith.muli %scan3A_50, %mul3A_78 : i32
        %add3A_80 = arith.constant 1 : i32
        %add3A_81 = arith.addi %mul3A_79, %add3A_80 : i32
        %mul3A_82 = arith.constant 9375 : i32
        %mul3A_83 = arith.muli %arg1, %mul3A_82 : i32
        %mul3A_84 = arith.constant 125 : i32
        %mul3A_85 = arith.muli %add3A_81, %mul3A_84 : i32
        %add3A_86 = arith.addi %mul3A_83, %mul3A_85 : i32
        %dma_wait3A_87 = arith.constant 1 : i32
        %dma_wait3A_88 = arith.constant 1 : i32
        %dma_wait3A_89 = arith.constant 0 : i32
        %dma_wait3A_90 = arith.constant 0 : i32
        %dma_wait3A_91 = tpu.memref_slice %arg16[%dma_wait3A_87, %dma_wait3A_89, %dma_wait3A_90] : memref<3x125x128xf32, #tpu.memory_space<vmem>> -> memref<1x125x128xf32, #tpu.memory_space<vmem>>
        %dma_wait3A_92 = tpu.memref_squeeze %dma_wait3A_91 : memref<1x125x128xf32, #tpu.memory_space<vmem>> -> memref<125x128xf32, #tpu.memory_space<vmem>>
        %dma_wait3A_93 = arith.constant 0 : i32
        %dma_wait3A_94 = tpu.memref_slice %arg8[%add3A_86, %dma_wait3A_93] : memref<150000x128xf32, #tpu.memory_space<hbm>> -> memref<125x128xf32, #tpu.memory_space<hbm>>
        %dma_wait3A_95 = tpu.memref_slice %arg17[%dma_wait3A_88] : memref<3x!tpu.dma_semaphore, #tpu.memory_space<semaphore_mem>> -> memref<1x!tpu.dma_semaphore, #tpu.memory_space<semaphore_mem>>
        %dma_wait3A_96 = tpu.memref_squeeze %dma_wait3A_95 : memref<1x!tpu.dma_semaphore, #tpu.memory_space<semaphore_mem>> -> memref<!tpu.dma_semaphore, #tpu.memory_space<semaphore_mem>>
        %dma_wait3A_97 = arith.constant 0 : i32
        %dma_wait3A_98 = arith.constant 0 : i32
        %dma_wait3A_99 = tpu.memref_slice %arg16[%dma_wait3A_87, %dma_wait3A_97, %dma_wait3A_98] : memref<3x125x128xf32, #tpu.memory_space<vmem>> -> memref<1x125x128xf32, #tpu.memory_space<vmem>>
        %dma_wait3A_100 = tpu.memref_squeeze %dma_wait3A_99 : memref<1x125x128xf32, #tpu.memory_space<vmem>> -> memref<125x128xf32, #tpu.memory_space<vmem>>
        %dma_wait3A_101 = arith.constant 0 : i32
        %dma_wait3A_102 = tpu.memref_slice %arg8[%add3A_86, %dma_wait3A_101] : memref<150000x128xf32, #tpu.memory_space<hbm>> -> memref<125x128xf32, #tpu.memory_space<hbm>>
        tpu.wait_dma2 semaphore(%dma_wait3A_96 : memref<!tpu.dma_semaphore, #tpu.memory_space<semaphore_mem>>) src(%dma_wait3A_102 : memref<125x128xf32, #tpu.memory_space<hbm>>) dst(%dma_wait3A_100 : memref<125x128xf32, #tpu.memory_space<vmem>>)
        %run_scoped3A_103 = arith.constant 1 : i32
        "tpu.region"() ({
          %run_scoped3A_140 = tpu.sem_alloc : memref<!tpu.dma_semaphore, #tpu.memory_space<semaphore_mem>>
          %dma_start3A = arith.constant 0 : i32
          %dma_start3A_141 = arith.constant 0 : i32
          %dma_start3A_142 = tpu.memref_slice %arg16[%run_scoped3A_103, %dma_start3A, %dma_start3A_141] : memref<3x125x128xf32, #tpu.memory_space<vmem>> -> memref<1x125x128xf32, #tpu.memory_space<vmem>>
          %dma_start3A_143 = tpu.memref_squeeze %dma_start3A_142 : memref<1x125x128xf32, #tpu.memory_space<vmem>> -> memref<125x128xf32, #tpu.memory_space<vmem>>
          %dma_start3A_144 = arith.constant 0 : i32
          %dma_start3A_145 = tpu.memref_slice %arg15[%add3A_81, %dma_start3A_144] : memref<75x125xi32, #tpu.memory_space<vmem>> -> memref<1x125xi32, #tpu.memory_space<vmem>>
          %dma_start3A_146 = tpu.memref_squeeze %dma_start3A_145 : memref<1x125xi32, #tpu.memory_space<vmem>> -> memref<125xi32, #tpu.memory_space<vmem>>
          %dma_start3A_147 = arith.constant 0 : i32
          %dma_start3A_148 = arith.constant 0 : i32
          %dma_start3A_149 = tpu.memref_slice %arg12[%dma_start3A_147, %dma_start3A_148] : memref<1000x128xf32, #tpu.memory_space<vmem_shared>> -> memref<1000x128xf32, #tpu.memory_space<vmem_shared>>
          tpu.enqueue_indirect_dma source(%dma_start3A_143 : memref<125x128xf32, #tpu.memory_space<vmem>>) target(%dma_start3A_149 : memref<1000x128xf32, #tpu.memory_space<vmem_shared>>) offsets(%dma_start3A_146 : memref<125xi32, #tpu.memory_space<vmem>>) semaphore(%run_scoped3A_140 : memref<!tpu.dma_semaphore, #tpu.memory_space<semaphore_mem>>) {add = true}
          %dma_wait3A_150 = arith.constant 0 : i32
          %dma_wait3A_151 = arith.constant 0 : i32
          %dma_wait3A_152 = tpu.memref_slice %arg16[%run_scoped3A_103, %dma_wait3A_150, %dma_wait3A_151] : memref<3x125x128xf32, #tpu.memory_space<vmem>> -> memref<1x125x128xf32, #tpu.memory_space<vmem>>
          %dma_wait3A_153 = tpu.memref_squeeze %dma_wait3A_152 : memref<1x125x128xf32, #tpu.memory_space<vmem>> -> memref<125x128xf32, #tpu.memory_space<vmem>>
          %dma_wait3A_154 = arith.constant 0 : i32
          %dma_wait3A_155 = tpu.memref_slice %arg15[%add3A_81, %dma_wait3A_154] : memref<75x125xi32, #tpu.memory_space<vmem>> -> memref<1x125xi32, #tpu.memory_space<vmem>>
          %dma_wait3A_156 = tpu.memref_squeeze %dma_wait3A_155 : memref<1x125xi32, #tpu.memory_space<vmem>> -> memref<125xi32, #tpu.memory_space<vmem>>
          %dma_wait3A_157 = arith.constant 0 : i32
          %dma_wait3A_158 = arith.constant 0 : i32
          %dma_wait3A_159 = tpu.memref_slice %arg12[%dma_wait3A_157, %dma_wait3A_158] : memref<1000x128xf32, #tpu.memory_space<vmem_shared>> -> memref<1000x128xf32, #tpu.memory_space<vmem_shared>>
          tpu.wait_indirect_dma semaphore(%run_scoped3A_140 : memref<!tpu.dma_semaphore, #tpu.memory_space<semaphore_mem>>) src(%dma_wait3A_153 : memref<125x128xf32, #tpu.memory_space<vmem>>) dst(%dma_wait3A_159 : memref<1000x128xf32, #tpu.memory_space<vmem_shared>>)
          tpu.yield
        }) : () -> ()
        %lt3A_104 = arith.constant 24 : i32
        %lt3A_105 = arith.cmpi slt, %scan3A_50, %lt3A_104 : i32
        %convert_element_type3A_106 = arith.extui %lt3A_105 : i1 to i32
        %cond3A_107 = arith.constant 0 : i32
        %cond3A_108 = arith.cmpi ne, %convert_element_type3A_106, %cond3A_107 : i32
        scf.if %cond3A_108 {
          %add3A_140 = arith.constant 3 : i32
          %add3A_141 = arith.addi %add3A_81, %add3A_140 : i32
          %mul3A_142 = arith.constant 9375 : i32
          %mul3A_143 = arith.muli %arg1, %mul3A_142 : i32
          %mul3A_144 = arith.constant 125 : i32
          %mul3A_145 = arith.muli %add3A_141, %mul3A_144 : i32
          %add3A_146 = arith.addi %mul3A_143, %mul3A_145 : i32
          %dma_start3A = arith.constant 1 : i32
          %dma_start3A_147 = arith.constant 1 : i32
          %dma_start3A_148 = arith.constant 0 : i32
          %dma_start3A_149 = arith.constant 0 : i32
          %dma_start3A_150 = tpu.memref_slice %arg16[%dma_start3A, %dma_start3A_148, %dma_start3A_149] : memref<3x125x128xf32, #tpu.memory_space<vmem>> -> memref<1x125x128xf32, #tpu.memory_space<vmem>>
          %dma_start3A_151 = tpu.memref_squeeze %dma_start3A_150 : memref<1x125x128xf32, #tpu.memory_space<vmem>> -> memref<125x128xf32, #tpu.memory_space<vmem>>
          %dma_start3A_152 = arith.constant 0 : i32
          %dma_start3A_153 = tpu.memref_slice %arg8[%add3A_146, %dma_start3A_152] : memref<150000x128xf32, #tpu.memory_space<hbm>> -> memref<125x128xf32, #tpu.memory_space<hbm>>
          %dma_start3A_154 = tpu.memref_slice %arg17[%dma_start3A_147] : memref<3x!tpu.dma_semaphore, #tpu.memory_space<semaphore_mem>> -> memref<1x!tpu.dma_semaphore, #tpu.memory_space<semaphore_mem>>
          %dma_start3A_155 = tpu.memref_squeeze %dma_start3A_154 : memref<1x!tpu.dma_semaphore, #tpu.memory_space<semaphore_mem>> -> memref<!tpu.dma_semaphore, #tpu.memory_space<semaphore_mem>>
          %dma_start3A_156 = arith.constant 0 : i32
          %dma_start3A_157 = arith.constant 0 : i32
          %dma_start3A_158 = tpu.memref_slice %arg16[%dma_start3A, %dma_start3A_156, %dma_start3A_157] : memref<3x125x128xf32, #tpu.memory_space<vmem>> -> memref<1x125x128xf32, #tpu.memory_space<vmem>>
          %dma_start3A_159 = tpu.memref_squeeze %dma_start3A_158 : memref<1x125x128xf32, #tpu.memory_space<vmem>> -> memref<125x128xf32, #tpu.memory_space<vmem>>
          %dma_start3A_160 = arith.constant 0 : i32
          %dma_start3A_161 = tpu.memref_slice %arg8[%add3A_146, %dma_start3A_160] : memref<150000x128xf32, #tpu.memory_space<hbm>> -> memref<125x128xf32, #tpu.memory_space<hbm>>
          tpu.enqueue_dma source(%dma_start3A_161 : memref<125x128xf32, #tpu.memory_space<hbm>>) target(%dma_start3A_159 : memref<125x128xf32, #tpu.memory_space<vmem>>) target_semaphore(%dma_start3A_155 : memref<!tpu.dma_semaphore, #tpu.memory_space<semaphore_mem>>)
        } else {
        }
        %mul3A_109 = arith.constant 3 : i32
        %mul3A_110 = arith.muli %scan3A_50, %mul3A_109 : i32
        %add3A_111 = arith.constant 2 : i32
        %add3A_112 = arith.addi %mul3A_110, %add3A_111 : i32
        %mul3A_113 = arith.constant 9375 : i32
        %mul3A_114 = arith.muli %arg1, %mul3A_113 : i32
        %mul3A_115 = arith.constant 125 : i32
        %mul3A_116 = arith.muli %add3A_112, %mul3A_115 : i32
        %add3A_117 = arith.addi %mul3A_114, %mul3A_116 : i32
        %dma_wait3A_118 = arith.constant 2 : i32
        %dma_wait3A_119 = arith.constant 2 : i32
        %dma_wait3A_120 = arith.constant 0 : i32
        %dma_wait3A_121 = arith.constant 0 : i32
        %dma_wait3A_122 = tpu.memref_slice %arg16[%dma_wait3A_118, %dma_wait3A_120, %dma_wait3A_121] : memref<3x125x128xf32, #tpu.memory_space<vmem>> -> memref<1x125x128xf32, #tpu.memory_space<vmem>>
        %dma_wait3A_123 = tpu.memref_squeeze %dma_wait3A_122 : memref<1x125x128xf32, #tpu.memory_space<vmem>> -> memref<125x128xf32, #tpu.memory_space<vmem>>
        %dma_wait3A_124 = arith.constant 0 : i32
        %dma_wait3A_125 = tpu.memref_slice %arg8[%add3A_117, %dma_wait3A_124] : memref<150000x128xf32, #tpu.memory_space<hbm>> -> memref<125x128xf32, #tpu.memory_space<hbm>>
        %dma_wait3A_126 = tpu.memref_slice %arg17[%dma_wait3A_119] : memref<3x!tpu.dma_semaphore, #tpu.memory_space<semaphore_mem>> -> memref<1x!tpu.dma_semaphore, #tpu.memory_space<semaphore_mem>>
        %dma_wait3A_127 = tpu.memref_squeeze %dma_wait3A_126 : memref<1x!tpu.dma_semaphore, #tpu.memory_space<semaphore_mem>> -> memref<!tpu.dma_semaphore, #tpu.memory_space<semaphore_mem>>
        %dma_wait3A_128 = arith.constant 0 : i32
        %dma_wait3A_129 = arith.constant 0 : i32
        %dma_wait3A_130 = tpu.memref_slice %arg16[%dma_wait3A_118, %dma_wait3A_128, %dma_wait3A_129] : memref<3x125x128xf32, #tpu.memory_space<vmem>> -> memref<1x125x128xf32, #tpu.memory_space<vmem>>
        %dma_wait3A_131 = tpu.memref_squeeze %dma_wait3A_130 : memref<1x125x128xf32, #tpu.memory_space<vmem>> -> memref<125x128xf32, #tpu.memory_space<vmem>>
        %dma_wait3A_132 = arith.constant 0 : i32
        %dma_wait3A_133 = tpu.memref_slice %arg8[%add3A_117, %dma_wait3A_132] : memref<150000x128xf32, #tpu.memory_space<hbm>> -> memref<125x128xf32, #tpu.memory_space<hbm>>
        tpu.wait_dma2 semaphore(%dma_wait3A_127 : memref<!tpu.dma_semaphore, #tpu.memory_space<semaphore_mem>>) src(%dma_wait3A_133 : memref<125x128xf32, #tpu.memory_space<hbm>>) dst(%dma_wait3A_131 : memref<125x128xf32, #tpu.memory_space<vmem>>)
        %run_scoped3A_134 = arith.constant 2 : i32
        "tpu.region"() ({
          %run_scoped3A_140 = tpu.sem_alloc : memref<!tpu.dma_semaphore, #tpu.memory_space<semaphore_mem>>
          %dma_start3A = arith.constant 0 : i32
          %dma_start3A_141 = arith.constant 0 : i32
          %dma_start3A_142 = tpu.memref_slice %arg16[%run_scoped3A_134, %dma_start3A, %dma_start3A_141] : memref<3x125x128xf32, #tpu.memory_space<vmem>> -> memref<1x125x128xf32, #tpu.memory_space<vmem>>
          %dma_start3A_143 = tpu.memref_squeeze %dma_start3A_142 : memref<1x125x128xf32, #tpu.memory_space<vmem>> -> memref<125x128xf32, #tpu.memory_space<vmem>>
          %dma_start3A_144 = arith.constant 0 : i32
          %dma_start3A_145 = tpu.memref_slice %arg15[%add3A_112, %dma_start3A_144] : memref<75x125xi32, #tpu.memory_space<vmem>> -> memref<1x125xi32, #tpu.memory_space<vmem>>
          %dma_start3A_146 = tpu.memref_squeeze %dma_start3A_145 : memref<1x125xi32, #tpu.memory_space<vmem>> -> memref<125xi32, #tpu.memory_space<vmem>>
          %dma_start3A_147 = arith.constant 0 : i32
          %dma_start3A_148 = arith.constant 0 : i32
          %dma_start3A_149 = tpu.memref_slice %arg12[%dma_start3A_147, %dma_start3A_148] : memref<1000x128xf32, #tpu.memory_space<vmem_shared>> -> memref<1000x128xf32, #tpu.memory_space<vmem_shared>>
          tpu.enqueue_indirect_dma source(%dma_start3A_143 : memref<125x128xf32, #tpu.memory_space<vmem>>) target(%dma_start3A_149 : memref<1000x128xf32, #tpu.memory_space<vmem_shared>>) offsets(%dma_start3A_146 : memref<125xi32, #tpu.memory_space<vmem>>) semaphore(%run_scoped3A_140 : memref<!tpu.dma_semaphore, #tpu.memory_space<semaphore_mem>>) {add = true}
          %dma_wait3A_150 = arith.constant 0 : i32
          %dma_wait3A_151 = arith.constant 0 : i32
          %dma_wait3A_152 = tpu.memref_slice %arg16[%run_scoped3A_134, %dma_wait3A_150, %dma_wait3A_151] : memref<3x125x128xf32, #tpu.memory_space<vmem>> -> memref<1x125x128xf32, #tpu.memory_space<vmem>>
          %dma_wait3A_153 = tpu.memref_squeeze %dma_wait3A_152 : memref<1x125x128xf32, #tpu.memory_space<vmem>> -> memref<125x128xf32, #tpu.memory_space<vmem>>
          %dma_wait3A_154 = arith.constant 0 : i32
          %dma_wait3A_155 = tpu.memref_slice %arg15[%add3A_112, %dma_wait3A_154] : memref<75x125xi32, #tpu.memory_space<vmem>> -> memref<1x125xi32, #tpu.memory_space<vmem>>
          %dma_wait3A_156 = tpu.memref_squeeze %dma_wait3A_155 : memref<1x125xi32, #tpu.memory_space<vmem>> -> memref<125xi32, #tpu.memory_space<vmem>>
          %dma_wait3A_157 = arith.constant 0 : i32
          %dma_wait3A_158 = arith.constant 0 : i32
          %dma_wait3A_159 = tpu.memref_slice %arg12[%dma_wait3A_157, %dma_wait3A_158] : memref<1000x128xf32, #tpu.memory_space<vmem_shared>> -> memref<1000x128xf32, #tpu.memory_space<vmem_shared>>
          tpu.wait_indirect_dma semaphore(%run_scoped3A_140 : memref<!tpu.dma_semaphore, #tpu.memory_space<semaphore_mem>>) src(%dma_wait3A_153 : memref<125x128xf32, #tpu.memory_space<vmem>>) dst(%dma_wait3A_159 : memref<1000x128xf32, #tpu.memory_space<vmem_shared>>)
          tpu.yield
        }) : () -> ()
        %lt3A_135 = arith.constant 24 : i32
        %lt3A_136 = arith.cmpi slt, %scan3A_50, %lt3A_135 : i32
        %convert_element_type3A_137 = arith.extui %lt3A_136 : i1 to i32
        %cond3A_138 = arith.constant 0 : i32
        %cond3A_139 = arith.cmpi ne, %convert_element_type3A_137, %cond3A_138 : i32
        scf.if %cond3A_139 {
          %add3A_140 = arith.constant 3 : i32
          %add3A_141 = arith.addi %add3A_112, %add3A_140 : i32
          %mul3A_142 = arith.constant 9375 : i32
          %mul3A_143 = arith.muli %arg1, %mul3A_142 : i32
          %mul3A_144 = arith.constant 125 : i32
          %mul3A_145 = arith.muli %add3A_141, %mul3A_144 : i32
          %add3A_146 = arith.addi %mul3A_143, %mul3A_145 : i32
          %dma_start3A = arith.constant 2 : i32
          %dma_start3A_147 = arith.constant 2 : i32
          %dma_start3A_148 = arith.constant 0 : i32
          %dma_start3A_149 = arith.constant 0 : i32
          %dma_start3A_150 = tpu.memref_slice %arg16[%dma_start3A, %dma_start3A_148, %dma_start3A_149] : memref<3x125x128xf32, #tpu.memory_space<vmem>> -> memref<1x125x128xf32, #tpu.memory_space<vmem>>
          %dma_start3A_151 = tpu.memref_squeeze %dma_start3A_150 : memref<1x125x128xf32, #tpu.memory_space<vmem>> -> memref<125x128xf32, #tpu.memory_space<vmem>>
          %dma_start3A_152 = arith.constant 0 : i32
          %dma_start3A_153 = tpu.memref_slice %arg8[%add3A_146, %dma_start3A_152] : memref<150000x128xf32, #tpu.memory_space<hbm>> -> memref<125x128xf32, #tpu.memory_space<hbm>>
          %dma_start3A_154 = tpu.memref_slice %arg17[%dma_start3A_147] : memref<3x!tpu.dma_semaphore, #tpu.memory_space<semaphore_mem>> -> memref<1x!tpu.dma_semaphore, #tpu.memory_space<semaphore_mem>>
          %dma_start3A_155 = tpu.memref_squeeze %dma_start3A_154 : memref<1x!tpu.dma_semaphore, #tpu.memory_space<semaphore_mem>> -> memref<!tpu.dma_semaphore, #tpu.memory_space<semaphore_mem>>
          %dma_start3A_156 = arith.constant 0 : i32
          %dma_start3A_157 = arith.constant 0 : i32
          %dma_start3A_158 = tpu.memref_slice %arg16[%dma_start3A, %dma_start3A_156, %dma_start3A_157] : memref<3x125x128xf32, #tpu.memory_space<vmem>> -> memref<1x125x128xf32, #tpu.memory_space<vmem>>
          %dma_start3A_159 = tpu.memref_squeeze %dma_start3A_158 : memref<1x125x128xf32, #tpu.memory_space<vmem>> -> memref<125x128xf32, #tpu.memory_space<vmem>>
          %dma_start3A_160 = arith.constant 0 : i32
          %dma_start3A_161 = tpu.memref_slice %arg8[%add3A_146, %dma_start3A_160] : memref<150000x128xf32, #tpu.memory_space<hbm>> -> memref<125x128xf32, #tpu.memory_space<hbm>>
          tpu.enqueue_dma source(%dma_start3A_161 : memref<125x128xf32, #tpu.memory_space<hbm>>) target(%dma_start3A_159 : memref<125x128xf32, #tpu.memory_space<vmem>>) target_semaphore(%dma_start3A_155 : memref<!tpu.dma_semaphore, #tpu.memory_space<semaphore_mem>>)
        } else {
        }
      }
      %scan3A_49 = arith.constant 25 : i32
    } else {
    }
    %barrier3A_29 = arith.constant 0 : index
    tpu.barrier barrier_id(%barrier3A_29)
    %lt3A_30 = arith.constant 8 : i32
    %lt3A_31 = arith.cmpi slt, %arg1, %lt3A_30 : i32
    %convert_element_type3A_32 = arith.extui %lt3A_31 : i1 to i32
    %cond3A_33 = arith.constant 0 : i32
    %cond3A_34 = arith.cmpi ne, %convert_element_type3A_32, %cond3A_33 : i32
    scf.if %cond3A_34 {
      %mul3A = arith.constant 125 : i32
      %mul3A_40 = arith.muli %arg1, %mul3A : i32
      %mul3A_41 = arith.constant 125 : i32
      %mul3A_42 = arith.muli %arg1, %mul3A_41 : i32
      %mul3A_43 = arith.constant 2 : i32
      %mul3A_44 = arith.muli %mul3A_43, %arg0 : i32
      "tpu.region"() ({
        %run_scoped3A = tpu.sem_alloc : memref<!tpu.dma_semaphore, #tpu.memory_space<semaphore_mem>>
        %dma_start3A = arith.constant 0 : i32
        %dma_start3A_45 = tpu.memref_slice %arg10[%mul3A_42, %mul3A_44, %dma_start3A] : memref<1000x4x128xf32, #tpu.memory_space<hbm>> -> memref<125x1x128xf32, #tpu.memory_space<hbm>>
        %dma_start3A_46 = tpu.memref_squeeze %dma_start3A_45 : memref<125x1x128xf32, #tpu.memory_space<hbm>> -> memref<125x128xf32, #tpu.memory_space<hbm>>
        %dma_start3A_47 = arith.constant 0 : i32
        %dma_start3A_48 = tpu.memref_slice %arg11[%mul3A_40, %dma_start3A_47] : memref<1000x128xf32, #tpu.memory_space<vmem_shared>> -> memref<125x128xf32, #tpu.memory_space<vmem_shared>>
        tpu.enqueue_dma source(%dma_start3A_48 : memref<125x128xf32, #tpu.memory_space<vmem_shared>>) target(%dma_start3A_46 : memref<125x128xf32, #tpu.memory_space<hbm>>) target_semaphore(%run_scoped3A : memref<!tpu.dma_semaphore, #tpu.memory_space<semaphore_mem>>)
        %dma_wait3A = arith.constant 0 : i32
        %dma_wait3A_49 = tpu.memref_slice %arg10[%mul3A_42, %mul3A_44, %dma_wait3A] : memref<1000x4x128xf32, #tpu.memory_space<hbm>> -> memref<125x1x128xf32, #tpu.memory_space<hbm>>
        %dma_wait3A_50 = tpu.memref_squeeze %dma_wait3A_49 : memref<125x1x128xf32, #tpu.memory_space<hbm>> -> memref<125x128xf32, #tpu.memory_space<hbm>>
        %dma_wait3A_51 = arith.constant 0 : i32
        %dma_wait3A_52 = tpu.memref_slice %arg11[%mul3A_40, %dma_wait3A_51] : memref<1000x128xf32, #tpu.memory_space<vmem_shared>> -> memref<125x128xf32, #tpu.memory_space<vmem_shared>>
        tpu.wait_dma2 semaphore(%run_scoped3A : memref<!tpu.dma_semaphore, #tpu.memory_space<semaphore_mem>>) src(%dma_wait3A_52 : memref<125x128xf32, #tpu.memory_space<vmem_shared>>) dst(%dma_wait3A_50 : memref<125x128xf32, #tpu.memory_space<hbm>>)
        tpu.yield
      }) : () -> ()
    } else {
    }
    %ge3A_35 = arith.constant 8 : i32
    %ge3A_36 = arith.cmpi sge, %arg1, %ge3A_35 : i32
    %convert_element_type3A_37 = arith.extui %ge3A_36 : i1 to i32
    %cond3A_38 = arith.constant 0 : i32
    %cond3A_39 = arith.cmpi ne, %convert_element_type3A_37, %cond3A_38 : i32
    scf.if %cond3A_39 {
      %sub3A = arith.constant 8 : i32
      %sub3A_40 = arith.subi %arg1, %sub3A : i32
      %mul3A = arith.constant 125 : i32
      %mul3A_41 = arith.muli %sub3A_40, %mul3A : i32
      %sub3A_42 = arith.constant 8 : i32
      %sub3A_43 = arith.subi %arg1, %sub3A_42 : i32
      %mul3A_44 = arith.constant 125 : i32
      %mul3A_45 = arith.muli %sub3A_43, %mul3A_44 : i32
      %mul3A_46 = arith.constant 2 : i32
      %mul3A_47 = arith.muli %mul3A_46, %arg0 : i32
      %add3A = arith.constant 1 : i32
      %add3A_48 = arith.addi %mul3A_47, %add3A : i32
      "tpu.region"() ({
        %run_scoped3A = tpu.sem_alloc : memref<!tpu.dma_semaphore, #tpu.memory_space<semaphore_mem>>
        %dma_start3A = arith.constant 0 : i32
        %dma_start3A_49 = tpu.memref_slice %arg10[%mul3A_45, %add3A_48, %dma_start3A] : memref<1000x4x128xf32, #tpu.memory_space<hbm>> -> memref<125x1x128xf32, #tpu.memory_space<hbm>>
        %dma_start3A_50 = tpu.memref_squeeze %dma_start3A_49 : memref<125x1x128xf32, #tpu.memory_space<hbm>> -> memref<125x128xf32, #tpu.memory_space<hbm>>
        %dma_start3A_51 = arith.constant 0 : i32
        %dma_start3A_52 = tpu.memref_slice %arg12[%mul3A_41, %dma_start3A_51] : memref<1000x128xf32, #tpu.memory_space<vmem_shared>> -> memref<125x128xf32, #tpu.memory_space<vmem_shared>>
        tpu.enqueue_dma source(%dma_start3A_52 : memref<125x128xf32, #tpu.memory_space<vmem_shared>>) target(%dma_start3A_50 : memref<125x128xf32, #tpu.memory_space<hbm>>) target_semaphore(%run_scoped3A : memref<!tpu.dma_semaphore, #tpu.memory_space<semaphore_mem>>)
        %dma_wait3A = arith.constant 0 : i32
        %dma_wait3A_53 = tpu.memref_slice %arg10[%mul3A_45, %add3A_48, %dma_wait3A] : memref<1000x4x128xf32, #tpu.memory_space<hbm>> -> memref<125x1x128xf32, #tpu.memory_space<hbm>>
        %dma_wait3A_54 = tpu.memref_squeeze %dma_wait3A_53 : memref<125x1x128xf32, #tpu.memory_space<hbm>> -> memref<125x128xf32, #tpu.memory_space<hbm>>
        %dma_wait3A_55 = arith.constant 0 : i32
        %dma_wait3A_56 = tpu.memref_slice %arg12[%mul3A_41, %dma_wait3A_55] : memref<1000x128xf32, #tpu.memory_space<vmem_shared>> -> memref<125x128xf32, #tpu.memory_space<vmem_shared>>
        tpu.wait_dma2 semaphore(%run_scoped3A : memref<!tpu.dma_semaphore, #tpu.memory_space<semaphore_mem>>) src(%dma_wait3A_56 : memref<125x128xf32, #tpu.memory_space<vmem_shared>>) dst(%dma_wait3A_54 : memref<125x128xf32, #tpu.memory_space<hbm>>)
        tpu.yield
      }) : () -> ()
    } else {
    }
    return
  }
}

</mosaic_0001>

<sc_bundles>
// kernel: _sum_atoms.3.cloned.1.call-start
scs
__scs_entry_jumppad:
0x0: {  	(pc) =	sbr.rel $0x88, $3  }
0x1: {  	(tag) =	ssettag $0x0;
	lr =	simm.s32 $0x1  }
0x2: {  	[smem:$0x3F99] =	sst lr;
	_ =	strace $0xD0000000  }
0x3: {  	_ = 	snop  }
0x4: {  	_ = 	snop  }
0x5: {  	_ = 	snop  }
0x6: {  	_ = 	snop  }
0x7: {  	_ = 	snop  }
__scs_overlays_trampoline_lowered:
0x8: {  	[smem:$0x3FA8] =	sst s0  }
0x9: {  	[smem:$0x3FA9] =	sst s1  }
0xa: {  	[smem:$0x3FAA] =	sst s2  }
0xb: {  	[smem:$0x3FAB] =	sst s3  }
0xc: {  	[smem:$0x3FAC] =	sst s4  }
0xd: {  	[smem:$0x3FAD] =	sst s5  }
0xe: {  	[smem:$0x3FAE] =	sst s6  }
0xf: {  	[smem:$0x3FAF] =	sst s7  }
0x10: {  	[smem:$0x3FB0] =	sst s8  }
0x11: {  	[smem:$0x3FB1] =	sst s9;
	s0 =	simm.s32 @!p0 $0x0  }
0x12: {  	s1 =	sld [smem:$0x3F97];
	s0 =	simm.s32 @p0 $0x1  }
0x13: {  	[smem:$0x3FB2] =	sst s0;
	s0 =	simm.s32 @!p1 $0x0  }
0x14: {  	s2 =	sld [smem:$0x3F96];
	s0 =	simm.s32 @p1 $0x1  }
0x15: {  	[smem:$0x3FB3] =	sst s0;
	s0 =	simm.s32 @!p2 $0x0  }
0x16: {  	s3 =	sld [smem:$0x3FDB];
	s0 =	simm.s32 @p2 $0x1  }
0x17: {  	s4 =	simm.s32 $0x1BF5;
	[smem:$0x3FB5] =	sst s0  }
0x18: {  	s0 =	sld [smem:$0x3F98];
	_ =	swait.ge [sflag:s4], $0x0  }
0x19: {  	s7 =	sld [smem:$0x3F99]  }
0x1a: {  	s8 =	sadd.s32 $0xFFFFE003, lr  }
0x1b: {  	s9 =	sadd.s32 $0xFFFFFEF7, lr;
	s5 =	simm.s32 $0xFFFFFFFF;
	p2 =	slt.u32 s8, $0xFFFFF086  }
0x1c: {  	p1 =	slt.u32 s9, $0xF7A;
	s5 =	simm.s32 @!p2 $0x0  }
0x1d: {  	s5 =	simm.s32 @p1 $0x1;
	p0 =	seq.s32 s7, s2  }
0x1e: {  	s7 =	smul.u32 @!p0 $0xF7A, s2;
	p2 =	seq.s32 @!p0 s5, $0x0  }
0x1f: {  	s9 =	smul.u32 $0xF7A, s1;
	s8 =	simm.s32 @!p0 $0x1BF5;
	p2 =	por !p2, p0  }
0x20: {  	[sflag:s8] =	ssyncset.s32 @!p0 $0xFFFFF086;
	s6 =	sadd.s32 @!p0 s3, s7;
	s7 =	simm.s32 @!p0 $0x108  }
0x21: {  	s3 =	sadd.s32 s3, s9;
	s6 =	sadd.s32 @!p0 $0x88, s6;
	s7 =	simm.s32 @p2 $0x1082  }
0x22: {  	[simem:s7], [sflag:s8] =	dma.local @!p0 [hbm:s6], $0xF7A  }
0x23: {  	s9 =	sor.u32 $0xD0000000, s2;
	s6 =	simm.s32 $0x108;
	_ =	swait.ge @!p0 [sflag:s8], $0x0  }
0x24: {  	s3 =	sadd.s32 $0x88, s3;
	s6 =	simm.s32 @!p1 $0x1082;
	[sflag:s4] =	ssyncset.s32 $0xFFFFF086  }
0x25: {  	[simem:s6], [sflag:s4] =	dma.local [hbm:s3], $0xF7A  }
0x26: {  	[smem:$0x3F99] =	sst s1;
	(tag) =	ssettag s2;
	_ =	strace s9  }
0x27: {  	s1 =	sld [smem:$0x3FA9]  }
0x28: {  	s2 =	sld [smem:$0x3FAA]  }
0x29: {  	s4 =	sld [smem:$0x3FAC]  }
0x2a: {  	p0 =	seq.s32 s5, $0x0;
	s5 =	sld [smem:$0x3FAD]  }
0x2b: {  	s6 =	sld [smem:$0x3FAE]  }
0x2c: {  	s7 =	sld [smem:$0x3FAF]  }
0x2d: {  	s3 =	simm.s32 $0x108;
	s8 =	sld [smem:$0x3FB0]  }
0x2e: {  	s3 =	simm.s32 @!p0 $0x1082;
	s9 =	sld [smem:$0x3FB1]  }
0x2f: {  	lr =	sadd.s32 s0, s3;
	s0 =	sld [smem:$0x3FA8]  }
0x30: {  	s3 =	sld [smem:$0x3FAB]  }
0x31: {  	[smem:$0x3FB4] =	sst s10  }
0x32: {  	s10 =	sld [smem:$0x3FB2];
	_ =	sdelay $0x3  }
0x33: {  	p0 =	seq.s32 s10, $0x1;
	s10 =	sld [smem:$0x3FB4];
	_ =	sdelay $0x3  }
0x34: {  	[smem:$0x3FB4] =	sst s10  }
0x35: {  	s10 =	sld [smem:$0x3FB3];
	_ =	sdelay $0x3  }
0x36: {  	p1 =	seq.s32 s10, $0x1;
	s10 =	sld [smem:$0x3FB4];
	_ =	sdelay $0x3  }
0x37: {  	[smem:$0x3FB4] =	sst s10  }
0x38: {  	s10 =	sld [smem:$0x3FB5]  }
0x39: {  	_ = 	snop;
	(pc) =	sbr.ind lr, $3  }
0x3a: {  	_ = 	snop  }
0x3b: {  	_ = 	snop  }
0x3c: {  	p2 =	seq.s32 s10, $0x1;
	s10 =	sld [smem:$0x3FB4]  }
0x3d: {  	_ =	shalt  }
0x3e: {  	_ =	shalt  }
0x3f: {  	_ =	shalt  }
0x40: {  	_ =	shalt  }
0x41: {  	_ =	shalt  }
0x42: {  	_ =	shalt  }
0x43: {  	_ =	shalt  }
0x44: {  	_ =	shalt  }
0x45: {  	_ =	shalt  }
0x46: {  	_ =	shalt  }
0x47: {  	_ =	shalt  }
0x48: {  	_ =	shalt  }
0x49: {  	_ =	shalt  }
0x4a: {  	_ =	shalt  }
0x4b: {  	_ =	shalt  }
0x4c: {  	_ =	shalt  }
0x4d: {  	_ =	shalt  }
0x4e: {  	_ =	shalt  }
0x4f: {  	_ =	shalt  }
0x50: {  	_ =	shalt  }
0x51: {  	_ =	shalt  }
0x52: {  	_ =	shalt  }
0x53: {  	_ =	shalt  }
0x54: {  	_ =	shalt  }
0x55: {  	_ =	shalt  }
0x56: {  	_ =	shalt  }
0x57: {  	_ =	shalt  }
0x58: {  	_ =	shalt  }
0x59: {  	_ =	shalt  }
0x5a: {  	_ =	shalt  }
0x5b: {  	_ =	shalt  }
0x5c: {  	_ =	shalt  }
0x5d: {  	_ =	shalt  }
0x5e: {  	_ =	shalt  }
0x5f: {  	_ =	shalt  }
0x60: {  	_ =	shalt  }
0x61: {  	_ =	shalt  }
0x62: {  	_ =	shalt  }
0x63: {  	_ =	shalt  }
0x64: {  	_ =	shalt  }
0x65: {  	_ =	shalt  }
0x66: {  	_ =	shalt  }
0x67: {  	_ =	shalt  }
0x68: {  	_ =	shalt  }
0x69: {  	_ =	shalt  }
0x6a: {  	_ =	shalt  }
0x6b: {  	_ =	shalt  }
0x6c: {  	_ =	shalt  }
0x6d: {  	_ =	shalt  }
0x6e: {  	_ =	shalt  }
0x6f: {  	_ =	shalt  }
0x70: {  	_ =	shalt  }
0x71: {  	_ =	shalt  }
0x72: {  	_ =	shalt  }
0x73: {  	_ =	shalt  }
0x74: {  	_ =	shalt  }
0x75: {  	_ =	shalt  }
0x76: {  	_ =	shalt  }
0x77: {  	_ =	shalt  }
0x78: {  	_ =	shalt  }
0x79: {  	_ =	shalt  }
0x7a: {  	_ =	shalt  }
0x7b: {  	_ =	shalt  }
0x7c: {  	_ =	shalt  }
0x7d: {  	_ =	shalt  }
0x7e: {  	_ =	shalt  }
0x7f: {  	_ =	shalt  }
0x80: {  	_ =	shalt  }
0x81: {  	_ =	shalt  }
0x82: {  	_ =	shalt  }
0x83: {  	_ =	shalt  }
0x84: {  	_ =	shalt  }
0x85: {  	_ =	shalt  }
0x86: {  	_ =	shalt  }
0x87: {  	_ =	shalt  }
.Lfunc_end0:
.L_simem_size_0:
called_computation_lowered:
.L_overlay_start_0:
0x88: {  	s2 =	sld [smem:$0x3FD9]  }
0x89: {  	s3 =	sld [smem:$0x3FFE];
	_ =	sdelay $0x1  }
0x8a: {  	s1 =	srdreg.scid  }
0x8b: {  	s0 =	sand.u32 $0x1, s1  }
0x8c: {  	s17 =	sshll.u32 s0, $0xA;
	s2 =	sadd.s32 s3, s2  }
0x8d: {  	s2 =	sadd.s32 s2, s17  }
0x8e: {  	[smem:$0x3FC0] =	sst s2  }
0x8f: {  	_ = 	snop  }
0x90: {  	s2 =	sld [smem:$0x3FC9]  }
0x91: {  	s18 =	sld [smem:$0x3FC7]  }
0x92: {  	s4 =	sld [smem:$0x3FC5]  }
0x93: {  	s5 =	sld [smem:$0x3FC3]  }
0x94: {  	s6 =	sld [smem:$0x3FD0];
	(tm) =	ssettm $0x1  }
0x95: {  	s7 =	sld [smem:$0x3FFB];
	_ =	sdelay $0x3  }
0x96: {  	_ =	strace s7  }
0x97: {  	s7 =	sld [smem:$0x3FFC];
	_ =	sdelay $0x3  }
0x98: {  	_ =	strace s7  }
0x99: {  	s7 =	sld [smem:$0x3FFD];
	_ =	sdelay $0x3  }
0x9a: {  	_ =	strace s7  }
0x9b: {  	_ =	strace $0x8FFFFFFF  }
0x9c: {  	s19 =	sld [smem:$0x3FDB];
	_ =	sdelay $0x1  }
0x9d: {  	s8 =	simm.s32 $_scs_section_size  }
0x9e: {  	s9 =	simm.s32 $_size__tile_overlayer_lowered;
	s10 =	simm.s32 $_tile_overlayer_lowered  }
0x9f: {  	s22 =	simm.s32 $0x1BFF;
	s21 =	sshll.u32 s10, $0x1;
	s7 =	sadd.s32 s8, s19  }
0xa0: {  	s11 =	simm.s32 $0x0;
	s20 =	sshll.u32 s9, $0x1;
	s9 =	sadd.s32 s21, s7  }
0xa1: {  	[timem:s11], [sflag:s22] =	dma.local [hbm:s9], s20  }
0xa2: {  	_ =	swait.ge [sflag:s22], s20  }
0xa3: {  	s8 =	ssub.s32 $0x0, s20;
	[sflag:s22] =	ssyncset.done $0x0  }
0xa4: {  	[sflag:s22] =	ssyncadd.s32 s8;
	_ =	sdelay $0x1  }
0xa5: {  	s23 =	simm.s32 $0x1B8B  }
0xa6: {  	_ =	swait.ge [sflag:s23], $0x1  }
0xa7: {  	[sflag:s23] =	ssyncset.done $0x0  }
0xa8: {  	s25 =	simm.s32 $0x1B8E;
	s24 =	sld [smem:$0x3FFE];
	[sflag:s23] =	ssyncadd.s32 $0xFFFFFFFF  }
0xa9: {  	s26 =	simm.s32 $execute0_lowered;
	[smem:$0x3FD2] =	sst s25  }
0xaa: {  	s9 =	sshll.u32 s26, $0x1;
	_ =	strace $0x80000046;
	[dreg:$0x1] =	wrdreg $0xFFFFFFFF  }
0xab: {  	s28 =	simm.s32 $_size_execute0_lowered;
	s7 =	sadd.s32 s7, s9;
	[dreg:$0x0] =	wrdreg $0x0  }
0xac: {  	s9 =	sshll.u32 s28, $0x1;
	[dreg:$0x2] =	wrdreg s7  }
0xad: {  	[dreg:$0x3] =	wrdreg s9  }
0xae: {  	[dreg:$0x4] =	wrdreg $0xC0  }
0xaf: {  	_ =	task [dreg:s11], $0x5FFFF  }
0xb0: {  	[dreg:$0x1] =	wrdreg $0xFFFFFFFF  }
0xb1: {  	[dreg:$0x0] =	wrdreg $0x60  }
0xb2: {  	[dreg:$0x2] =	wrdreg s2  }
0xb3: {  	[dreg:$0x3] =	wrdreg s24  }
0xb4: {  	[dreg:$0x4] =	wrdreg s18  }
0xb5: {  	[dreg:$0x5] =	wrdreg s4  }
0xb6: {  	[dreg:$0x6] =	wrdreg s5  }
0xb7: {  	[dreg:$0x7] =	wrdreg s6  }
0xb8: {  	[dreg:$0x8] =	wrdreg $0x0  }
0xb9: {  	[dreg:$0x9] =	wrdreg $0x1F400  }
0xba: {  	[dreg:$0xa] =	wrdreg $0x9  }
0xbb: {  	_ =	task.clear_ibuf [dreg:s11], $0xBFFFF;
	_ =	strace $0x90000046  }
0xbc: {  	s29 =	simm.s32 $0x9;
	_ =	strace $0x80000048  }
0xbd: {  	_ =	swait.ge [sflag:s29], $0x1  }
0xbe: {  	[sflag:s29] =	ssyncadd.s32 $0xFFFFFFFF  }
0xbf: {  	_ =	strace $0x90000048  }
0xc0: {  	_ =	sfence  }
0xc1: {  	s30 =	sld [smem:$0x0];
	_ =	sdelay $0x2  }
0xc2: {  	s31 =	sshll.u32 s1, $0xD;
	s1 =	sshrl.u32 s1, $0x2  }
0xc3: {  	s3 =	sand.u32 $0x4000, s31;
	s1 =	sadd.s32 s1, s30  }
0xc4: {  	s0 =	sor.u32 s3, s0;
	s1 =	sshll.u32 s1, $0x11  }
0xc5: {  	s0 =	sor.u32 s1, s0  }
0xc6: {  	s0 =	sadd.s32 $0x8F2B, s0  }
0xc7: {  	[sflag:s0] =	ssyncadd.remote.s32 $0x1  }
0xc8: {  	_ =	sfence.sel $0xFFFF  }
0xc9: {  	[dreg:$0x0] =	wrdreg $0xFFFFFFFF;
	(pc) =	sbr.abs _section_cstart, $3  }
0xca: {  	[dreg:$0x1] =	wrdreg $0xFFFFFFFF  }
0xcb: {  	_ =	task.clear_ibuf [dreg:s11], $0x2FFFF;
	_ =	strace $0x9FFFFFFF  }
0xcc: {  	(tm) =	ssettm $0x7FFFFFFF  }
0xcd: {  	_ =	shalt  }
tec
execute0_lowered:
.L_overlay_start_1:
0x0: {  	(tag) =	ssettag $0x1  }
0x1: {  	s0 =	rddreg [dreg:$0x0]  }
0x2: {  	s5 =	rddreg [dreg:$0x1]  }
0x3: {  	s6 =	rddreg [dreg:$0x2]  }
0x4: {  	s7 =	rddreg [dreg:$0x3]  }
0x5: {  	s8 =	rddreg [dreg:$0x4]  }
0x6: {  	s12 =	rddreg [dreg:$0x5]  }
0x7: {  	s1 =	rddreg [dreg:$0x6]  }
0x8: {  	s2 =	rddreg [dreg:$0x7];
	s3 =	simm.s32 $0x0  }
0x9: {  	s4 =	srdreg.scid;
	s29 =	simm.s32 $0x4;
	[smem:$0x7FF] =	sst s3  }
0xa: {  	s9 =	sadd.s32 $0x400, s5;
	s13 =	sand.u32 $0x1, s4;
	s4 =	stileid.u32  }
0xb: {  	s10 =	sadd.s32 $0x5000, s5;
	s14 =	sadd.s32 $0x9C00, s5;
	s16 =	smul.u32 $0x124F80, s4  }
0xc: {  	s5 =	sadd.s32 $0xE800, s5;
	_ =	strace $0x80000047;
	s26 =	smul.u32 $0xFA00, s4  }
0xd: {  	s11 =	ssub.s32 $0x2, s13;
	p1 =	seq.s32 s13, $0x0;
	s21 =	smul.u32 $0x249F0, s4  }
0xe: {  	s19 =	smul.u32 $0x4B0, s4;
	p0 =	sgt.u32 s4, $0x7;
	s31 =	sshll.u32 s13, $0x8  }
0xf: {  	s15 =	sshrl.u32 s11, $0x1;
	s14 =	smov.u32 @p1 s9;
	s5 =	smov.u32 @p1 s10  }
0x10: {  	s15 =	ssub.s32 s11, s15;
	s16 =	sshrl.u32 s16, $0x3;
	s18 =	sshrl.u32 s26, $0x2  }
0x11: {  	s24 =	sadd.s32 s8, s21;
	s22 =	sadd.s32 $0xFFF83000, s26;
	s23 =	sor.u32 s31, s26  }
0x12: {  	s9 =	sadd.s32 s14, s19;
	s10 =	sadd.s32 s5, s19;
	s5 =	smov.u32 s7  }
0x13: {  	s17 =	sadd.s32 $0x7D0, s16;
	s16 =	sadd.s32 $0xFA0, s16;
	s20 =	sadd.s32 s18, s2  }
0x14: {  	s25 =	sadd.s32 s18, s1;
	s11 =	sor.u32 s22, s31;
	s26 =	sshra.s32 s22, $0x2  }
0x15: {  	s5 =	smov.u32 @p1 s0;
	s14 =	smax.u32 s15, $0x1;
	s31 =	sadd.s32 s21, s7  }
0x16: {  	[dreg:$0x9] =	wrdreg s24;
	s0 =	sadd.s32 s21, s0;
	s7 =	simm.s32 $0x2  }
0x17: {  	s18 =	sadd.s32 $0xFFFE0C00, s20;
	s28 =	sadd.s32 s8, s17;
	s8 =	sadd.s32 s8, s16  }
0x18: {  	s20 =	sor.u32 $0x80, s11;
	s11 =	smov.u32 s25;
	s19 =	sadd.s32 s6, s17  }
0x19: {  	s15 =	sadd.s32 s5, s17;
	s17 =	sadd.s32 s5, s21;
	[dreg:$0xa] =	wrdreg s28  }
0x1a: {  	s30 =	sadd.s32 $0x2710, s0;
	s0 =	simm.s32 $0x1;
	[dreg:$0xb] =	wrdreg s8  }
0x1b: {  	s8 =	sadd.s32 s6, s21;
	s11 =	smov.u32 @p0 s18;
	[dreg:$0xd] =	wrdreg s19  }
0x1c: {  	s23 =	smov.u32 @p0 s20;
	s6 =	sadd.s32 s6, s16;
	s16 =	sadd.s32 s5, s16  }
0x1d: {  	s19 =	sadd.s32 $0x2710, s31;
	s20 =	sadd.s32 $0x2710, s24;
	s24 =	simm.s32 $0x10680  }
.Ltmp0:
0x1e: {  	s5 =	simm.s32 $0x0;
	[dreg:$0xe] =	wrdreg s6;
	(pc) =	sbr.rel .LBB2_1-.Ltmp0, $4  }
0x1f: {  	s6 =	sadd.s32 s26, s2;
	s28 =	sshrl.u32 s23, $0x3;
	[dreg:$0xc] =	wrdreg s8  }
0x20: {  	s22 =	sadd.s32 $0x2710, s8;
	s23 =	simm.s32 $0xC800;
	s26 =	simm.s32 $0x14500  }
0x21: {  	s18 =	sadd.s32 s12, s28;
	s25 =	smov.u32 @p0 s6;
	p0 =	sne.s32 s13, $0x0  }
0x22: {  	v0 =	vimm.f32 $0.0e+00;
	s6 =	simm.s32 $0x7D;
	s12 =	simm.s32 $0x3;
	s25 =	sshrl.u32 s25, $0x3  }
.LBB2_13:
0x23: {  	[tilespmem:s26], [sflag:$0x3] =	stream.linear.gather [hbm4b:s21+s3], $0x3E80, $0x38;
	[tilespmem:$0x18380] =	vst v63  }
0x24: {  	_ =	swait.ge [sflag:s0], $0x3E80  }
0x25: {  	[sflag:s0] =	ssyncset.done $0x0  }
0x26: {  	s8 =	simm.s32 $0xC680;
	[sflag:s0] =	ssyncadd.s32 $0xFFFFC180  }
0x27: {  	[spmem:s2] =	stream.indirect.scatter.add.f32 [tilespmem:s23], [sflag:$0x4], $0x80, s8, s6, $0xb8;
	[tilespmem:$0x18380] =	vst v63  }
0x28: {  	_ =	swait.ge [sflag:s29], $0x3E80  }
0x29: {  	[sflag:s29] =	ssyncset.done $0x0  }
0x2a: {  	[sflag:s29] =	ssyncadd.s32 $0xFFFFC180  }
0x2b: {  	_ =	swait.ge [sflag:s7], $0x3E80  }
0x2c: {  	[sflag:s7] =	ssyncset.done $0x0  }
0x2d: {  	s28 =	simm.s32 $0xC700;
	[sflag:s7] =	ssyncadd.s32 $0xFFFFC180  }
0x2e: {  	[spmem:s2] =	stream.indirect.scatter.add.f32 [tilespmem:s24], [sflag:$0x4], $0x80, s28, s6, $0xb8;
	[tilespmem:$0x18380] =	vst v63  }
0x2f: {  	_ =	swait.ge [sflag:s29], $0x3E80  }
0x30: {  	[sflag:s29] =	ssyncset.done $0x0  }
0x31: {  	[sflag:s29] =	ssyncadd.s32 $0xFFFFC180  }
0x32: {  	_ =	swait.ge [sflag:s12], $0x3E80  }
0x33: {  	[sflag:s12] =	ssyncset.done $0x0  }
0x34: {  	s31 =	simm.s32 $0xC780;
	[sflag:s12] =	ssyncadd.s32 $0xFFFFC180  }
0x35: {  	[spmem:s2] =	stream.indirect.scatter.add.f32 [tilespmem:s26], [sflag:$0x4], $0x80, s31, s6, $0xb8;
	[tilespmem:$0x18380] =	vst v63  }
.LBB2_14:
0x36: {  	_ =	swait.ge [sflag:s29], $0x3E80;
	s8 =	sshll.u32 s4, $0x6  }
0x37: {  	s13 =	simm.s32 $0x40;
	s5 =	sadd.s32 $0x1, s5;
	[sflag:s29] =	ssyncset.done $0x0  }
0x38: {  	s21 =	simm.s32 $0x10;
	p1 =	sne.s32 s5, s14;
	[sflag:s29] =	ssyncadd.s32 $0xFFFFC180  }
.Ltmp1:
0x39: {  	s8 =	sor.u32 $0x1C04, s8;
	[bflag:$0x0] =	sbarrier.arrive $0xFFFF;
	(pc) =	sbr.rel @!p1 .LBB2_15-.Ltmp1, $4  }
0x3a: {  	[hbm:s18@s13], [sflag:s8] =	dma.strided [spmem:s25@s21], $0x7D0, s0, $0x10   }
0x3b: {  	_ =	swait.ge [sflag:s29], $0x7D0  }
0x3c: {  	[sflag:s29] =	ssyncset.done $0x0  }
0x3d: {  	[sflag:s29] =	ssyncadd.s32 $0xFFFFF830  }
.LBB2_1:
0x3e: {  	[tilespmem:s23], [sflag:$0x1] =	stream.linear.gather [hbm4b:s17+s3], $0x3E80, $0x38;
	[tilespmem:$0x18380] =	vst v63  }
0x3f: {  	_ = 	snop  }
0x40: {  	[tilespmem:s24], [sflag:$0x2] =	stream.linear.gather [hbm4b:s15+s3], $0x3E80, $0x38;
	[tilespmem:$0x18380] =	vst v63  }
0x41: {  	_ = 	snop  }
0x42: {  	[tilespmem:s26], [sflag:$0x3] =	stream.linear.gather [hbm4b:s16+s3], $0x3E80, $0x38;
	[tilespmem:$0x18380] =	vst v63  }
0x43: {  	s8 =	simm.s32 $0x7D00  }
0x44: {  	[tilespmem:s8], [sflag:$0x4] =	stream.linear.gather [hbm4b:s9+s3], $0x2580, $0x38;
	[tilespmem:$0x18380] =	vst v63  }
0x45: {  	_ =	swait.ge [sflag:s29], $0x2580  }
0x46: {  	[sflag:s29] =	ssyncset.done $0x0  }
0x47: {  	s31 =	simm.s32 $0xA280;
	[sflag:s29] =	ssyncadd.s32 $0xFFFFDA80  }
0x48: {  	[tilespmem:s31], [sflag:$0x4] =	stream.linear.gather [hbm4b:s10+s3], $0x2580, $0x38;
	[tilespmem:$0x18380] =	vst v63  }
0x49: {  	s13 =	sand.u32 $0xFE00, s3;
	s21 =	sand.u32 $0x70, s3;
	_ =	swait.ge [sflag:s29], $0x2580  }
0x4a: {  	s28 =	sshrl.u32 s13, $0x2;
	s13 =	simm.s32 $0x40;
	[sflag:s29] =	ssyncset.done $0x0  }
0x4b: {  	s28 =	sor.u32 s21, s28;
	s21 =	simm.s32 $0x0;
	[sflag:s29] =	ssyncadd.s32 $0xFFFFDA80  }
.LBB2_2:
0x4c: {  	p1 =	sne.s32 s13, $0xF9C0  }
0x4d: {  	[tilespmem:s28+$0x3E80] =	vst v0;
	s21 =	sadd.s32 $0x10, s21;
	s28 =	smov.u32 s13;
	s13 =	sadd.s32 $0x40, s13  }
.Ltmp2:
0x4e: {  	(pc) =	sbr.rel @p1 .LBB2_2-.Ltmp2, $4  }
0x4f: {  	_ = 	snop  }
0x50: {  	s28 =	sand.u32 $0xFE00, s28  }
0x51: {  	s31 =	sand.u32 $0x70, s21;
	s28 =	sshrl.u32 s28, $0x2  }
0x52: {  	s28 =	sor.u32 s31, s28  }
0x53: {  	[tilespmem:s28+$0x3E80] =	vst v0;
	s8 =	simm.s32 $0x3E80  }
0x54: {  	[spmem:s11] =	stream.linear.scatter [tilespmem:s8], [sflag:$0x4], $0x3E80, $0x38;
	[tilespmem:$0x18380] =	vst v63  }
.Ltmp3:
0x55: {  	_ =	swait.ge [sflag:s29], $0x3E80;
	(pc) =	sbr.rel @p0 .LBB2_9-.Ltmp3, $3  }
0x56: {  	[sflag:s29] =	ssyncset.done $0x0  }
0x57: {  	[sflag:s29] =	ssyncadd.s32 $0xFFFFC180  }
0x58: {  	[bflag:$0x0] =	sbarrier.arrive $0xFFFF;
	_ =	sdelay $0x1  }
0x59: {  	_ =	swait.ge [sflag:s0], $0x3E80  }
0x5a: {  	[sflag:s0] =	ssyncset.done $0x0  }
0x5b: {  	s13 =	simm.s32 $0x7D00;
	[sflag:s0] =	ssyncadd.s32 $0xFFFFC180  }
0x5c: {  	[spmem:s1] =	stream.indirect.scatter.add.f32 [tilespmem:s23], [sflag:$0x4], $0x80, s13, s6, $0xb8;
	[tilespmem:$0x18380] =	vst v63  }
0x5d: {  	_ =	swait.ge [sflag:s29], $0x3E80  }
0x5e: {  	[sflag:s29] =	ssyncset.done $0x0  }
0x5f: {  	s31 =	sadd.s32 $0xFFFFF060, s30;
	[sflag:s29] =	ssyncadd.s32 $0xFFFFC180  }
0x60: {  	[tilespmem:s23], [sflag:$0x1] =	stream.linear.gather [hbm4b:s31+s3], $0x3E80, $0x38;
	[tilespmem:$0x18380] =	vst v63  }
0x61: {  	_ =	swait.ge [sflag:s7], $0x3E80  }
0x62: {  	[sflag:s7] =	ssyncset.done $0x0  }
0x63: {  	s8 =	simm.s32 $0x7D80;
	[sflag:s7] =	ssyncadd.s32 $0xFFFFC180  }
0x64: {  	[spmem:s1] =	stream.indirect.scatter.add.f32 [tilespmem:s24], [sflag:$0x4], $0x80, s8, s6, $0xb8;
	[tilespmem:$0x18380] =	vst v63  }
0x65: {  	_ =	swait.ge [sflag:s29], $0x3E80  }
0x66: {  	[sflag:s29] =	ssyncset.done $0x0  }
0x67: {  	s21 =	sadd.s32 $0xFFFFF830, s30;
	[sflag:s29] =	ssyncadd.s32 $0xFFFFC180  }
0x68: {  	[tilespmem:s24], [sflag:$0x2] =	stream.linear.gather [hbm4b:s21+s3], $0x3E80, $0x38;
	[tilespmem:$0x18380] =	vst v63  }
0x69: {  	_ =	swait.ge [sflag:s12], $0x3E80  }
0x6a: {  	[sflag:s12] =	ssyncset.done $0x0  }
0x6b: {  	s31 =	simm.s32 $0x7E00;
	[sflag:s12] =	ssyncadd.s32 $0xFFFFC180  }
0x6c: {  	[spmem:s1] =	stream.indirect.scatter.add.f32 [tilespmem:s26], [sflag:$0x4], $0x80, s31, s6, $0xb8;
	[tilespmem:$0x18380] =	vst v63  }
0x6d: {  	_ =	swait.ge [sflag:s29], $0x3E80  }
0x6e: {  	s28 =	sadd.s32 $0x1770, s30;
	[sflag:s29] =	ssyncset.done $0x0  }
0x6f: {  	s13 =	simm.s32 $0x600;
	s21 =	smov.u32 s30;
	[sflag:s29] =	ssyncadd.s32 $0xFFFFC180  }
.LBB2_5:
0x70: {  	[tilespmem:s26], [sflag:$0x3] =	stream.linear.gather [hbm4b:s21+s3], $0x3E80, $0x38;
	[tilespmem:$0x18380] =	vst v63  }
0x71: {  	s31 =	smov.u32 s13;
	s21 =	smov.u32 s28  }
0x72: {  	p1 =	sne.s32 s13, $0x8A00;
	s13 =	sadd.s32 $0x600, s13;
	_ =	swait.ge [sflag:s0], $0x3E80  }
0x73: {  	s31 =	sshra.s32 s31, $0x2;
	[sflag:s0] =	ssyncset.done $0x0  }
0x74: {  	s8 =	sadd.s32 $0x7D00, s31;
	[sflag:s0] =	ssyncadd.s32 $0xFFFFC180  }
0x75: {  	[spmem:s1] =	stream.indirect.scatter.add.f32 [tilespmem:s23], [sflag:$0x4], $0x80, s8, s6, $0xb8;
	[tilespmem:$0x18380] =	vst v63  }
0x76: {  	_ =	swait.ge [sflag:s29], $0x3E80  }
0x77: {  	[sflag:s29] =	ssyncset.done $0x0  }
0x78: {  	s8 =	sadd.s32 $0xFFFFF060, s28;
	[sflag:s29] =	ssyncadd.s32 $0xFFFFC180  }
0x79: {  	[tilespmem:s23], [sflag:$0x1] =	stream.linear.gather [hbm4b:s8+s3], $0x3E80, $0x38;
	[tilespmem:$0x18380] =	vst v63  }
0x7a: {  	_ =	swait.ge [sflag:s7], $0x3E80  }
0x7b: {  	[sflag:s7] =	ssyncset.done $0x0  }
0x7c: {  	s8 =	sadd.s32 $0x7D80, s31;
	[sflag:s7] =	ssyncadd.s32 $0xFFFFC180  }
0x7d: {  	[spmem:s1] =	stream.indirect.scatter.add.f32 [tilespmem:s24], [sflag:$0x4], $0x80, s8, s6, $0xb8;
	[tilespmem:$0x18380] =	vst v63  }
0x7e: {  	_ =	swait.ge [sflag:s29], $0x3E80  }
0x7f: {  	[sflag:s29] =	ssyncset.done $0x0  }
0x80: {  	s8 =	sadd.s32 $0xFFFFF830, s28;
	[sflag:s29] =	ssyncadd.s32 $0xFFFFC180  }
0x81: {  	[tilespmem:s24], [sflag:$0x2] =	stream.linear.gather [hbm4b:s8+s3], $0x3E80, $0x38;
	[tilespmem:$0x18380] =	vst v63  }
0x82: {  	_ =	swait.ge [sflag:s12], $0x3E80  }
0x83: {  	[sflag:s12] =	ssyncset.done $0x0  }
.Ltmp4:
0x84: {  	s8 =	sadd.s32 $0x7E00, s31;
	[sflag:s12] =	ssyncadd.s32 $0xFFFFC180;
	(pc) =	sbr.rel @p1 .LBB2_5-.Ltmp4, $4  }
0x85: {  	[spmem:s1] =	stream.indirect.scatter.add.f32 [tilespmem:s26], [sflag:$0x4], $0x80, s8, s6, $0xb8;
	[tilespmem:$0x18380] =	vst v63  }
0x86: {  	_ =	swait.ge [sflag:s29], $0x3E80  }
0x87: {  	[sflag:s29] =	ssyncset.done $0x0  }
0x88: {  	s28 =	sadd.s32 $0x1770, s28;
	[sflag:s29] =	ssyncadd.s32 $0xFFFFC180  }
0x89: {  	[tilespmem:s26], [sflag:$0x3] =	stream.linear.gather [hbm4b:s21+s3], $0x3E80, $0x38;
	[tilespmem:$0x18380] =	vst v63  }
0x8a: {  	_ =	swait.ge [sflag:s0], $0x3E80  }
0x8b: {  	[sflag:s0] =	ssyncset.done $0x0  }
0x8c: {  	s8 =	simm.s32 $0xA100;
	[sflag:s0] =	ssyncadd.s32 $0xFFFFC180  }
0x8d: {  	[spmem:s1] =	stream.indirect.scatter.add.f32 [tilespmem:s23], [sflag:$0x4], $0x80, s8, s6, $0xb8;
	[tilespmem:$0x18380] =	vst v63  }
0x8e: {  	_ =	swait.ge [sflag:s29], $0x3E80  }
0x8f: {  	[sflag:s29] =	ssyncset.done $0x0  }
0x90: {  	s8 =	simm.s32 $0x0;
	s13 =	rddreg [dreg:$0xc];
	[sflag:s29] =	ssyncadd.s32 $0xFFFFC180  }
0x91: {  	[tilespmem:s23], [sflag:$0x1] =	stream.linear.gather [hbm4b:s13+s8], $0x3E80, $0x38;
	[tilespmem:$0x18380] =	vst v63  }
0x92: {  	_ =	swait.ge [sflag:s7], $0x3E80  }
0x93: {  	[sflag:s7] =	ssyncset.done $0x0  }
0x94: {  	s21 =	simm.s32 $0xA180;
	[sflag:s7] =	ssyncadd.s32 $0xFFFFC180  }
0x95: {  	[spmem:s1] =	stream.indirect.scatter.add.f32 [tilespmem:s24], [sflag:$0x4], $0x80, s21, s6, $0xb8;
	[tilespmem:$0x18380] =	vst v63  }
0x96: {  	_ =	swait.ge [sflag:s29], $0x3E80  }
0x97: {  	[sflag:s29] =	ssyncset.done $0x0  }
0x98: {  	s31 =	rddreg [dreg:$0xd];
	[sflag:s29] =	ssyncadd.s32 $0xFFFFC180  }
0x99: {  	[tilespmem:s24], [sflag:$0x2] =	stream.linear.gather [hbm4b:s31+s8], $0x3E80, $0x38;
	[tilespmem:$0x18380] =	vst v63  }
0x9a: {  	_ =	swait.ge [sflag:s12], $0x3E80  }
0x9b: {  	[sflag:s12] =	ssyncset.done $0x0  }
0x9c: {  	s21 =	simm.s32 $0xA200;
	[sflag:s12] =	ssyncadd.s32 $0xFFFFC180  }
0x9d: {  	[spmem:s1] =	stream.indirect.scatter.add.f32 [tilespmem:s26], [sflag:$0x4], $0x80, s21, s6, $0xb8;
	[tilespmem:$0x18380] =	vst v63  }
0x9e: {  	_ =	swait.ge [sflag:s29], $0x3E80  }
0x9f: {  	[sflag:s29] =	ssyncset.done $0x0  }
0xa0: {  	s31 =	rddreg [dreg:$0xe];
	[sflag:s29] =	ssyncadd.s32 $0xFFFFC180  }
0xa1: {  	[tilespmem:s26], [sflag:$0x3] =	stream.linear.gather [hbm4b:s31+s8], $0x3E80, $0x38;
	[tilespmem:$0x18380] =	vst v63  }
0xa2: {  	_ =	swait.ge [sflag:s0], $0x3E80  }
0xa3: {  	[sflag:s0] =	ssyncset.done $0x0  }
0xa4: {  	s21 =	simm.s32 $0xA280;
	[sflag:s0] =	ssyncadd.s32 $0xFFFFC180  }
0xa5: {  	[spmem:s2] =	stream.indirect.scatter.add.f32 [tilespmem:s23], [sflag:$0x4], $0x80, s21, s6, $0xb8;
	[tilespmem:$0x18380] =	vst v63  }
0xa6: {  	_ =	swait.ge [sflag:s29], $0x3E80  }
0xa7: {  	[sflag:s29] =	ssyncset.done $0x0  }
0xa8: {  	s31 =	sadd.s32 $0xFFFFF060, s22;
	[sflag:s29] =	ssyncadd.s32 $0xFFFFC180  }
0xa9: {  	[tilespmem:s23], [sflag:$0x1] =	stream.linear.gather [hbm4b:s31+s3], $0x3E80, $0x38;
	[tilespmem:$0x18380] =	vst v63  }
0xaa: {  	_ =	swait.ge [sflag:s7], $0x3E80  }
0xab: {  	[sflag:s7] =	ssyncset.done $0x0  }
0xac: {  	s13 =	simm.s32 $0xA300;
	[sflag:s7] =	ssyncadd.s32 $0xFFFFC180  }
0xad: {  	[spmem:s2] =	stream.indirect.scatter.add.f32 [tilespmem:s24], [sflag:$0x4], $0x80, s13, s6, $0xb8;
	[tilespmem:$0x18380] =	vst v63  }
0xae: {  	_ =	swait.ge [sflag:s29], $0x3E80  }
0xaf: {  	[sflag:s29] =	ssyncset.done $0x0  }
0xb0: {  	s21 =	sadd.s32 $0xFFFFF830, s22;
	[sflag:s29] =	ssyncadd.s32 $0xFFFFC180  }
0xb1: {  	[tilespmem:s24], [sflag:$0x2] =	stream.linear.gather [hbm4b:s21+s3], $0x3E80, $0x38;
	[tilespmem:$0x18380] =	vst v63  }
0xb2: {  	_ =	swait.ge [sflag:s12], $0x3E80  }
0xb3: {  	[sflag:s12] =	ssyncset.done $0x0  }
0xb4: {  	s31 =	simm.s32 $0xA380;
	[sflag:s12] =	ssyncadd.s32 $0xFFFFC180  }
0xb5: {  	[spmem:s2] =	stream.indirect.scatter.add.f32 [tilespmem:s26], [sflag:$0x4], $0x80, s31, s6, $0xb8;
	[tilespmem:$0x18380] =	vst v63  }
0xb6: {  	_ =	swait.ge [sflag:s29], $0x3E80  }
0xb7: {  	s28 =	sadd.s32 $0x1770, s22;
	[sflag:s29] =	ssyncset.done $0x0  }
0xb8: {  	s13 =	simm.s32 $0x600;
	s21 =	smov.u32 s22;
	[sflag:s29] =	ssyncadd.s32 $0xFFFFC180  }
.LBB2_7:
0xb9: {  	[tilespmem:s26], [sflag:$0x3] =	stream.linear.gather [hbm4b:s21+s3], $0x3E80, $0x38;
	[tilespmem:$0x18380] =	vst v63  }
0xba: {  	s8 =	smov.u32 s13;
	s21 =	smov.u32 s28  }
0xbb: {  	p1 =	seq.s32 s13, $0x8A00;
	s13 =	sadd.s32 $0x600, s13;
	_ =	swait.ge [sflag:s0], $0x3E80  }
0xbc: {  	s8 =	sshra.s32 s8, $0x2;
	[sflag:s0] =	ssyncset.done $0x0  }
0xbd: {  	s31 =	sadd.s32 $0xA280, s8;
	[sflag:s0] =	ssyncadd.s32 $0xFFFFC180  }
0xbe: {  	[spmem:s2] =	stream.indirect.scatter.add.f32 [tilespmem:s23], [sflag:$0x4], $0x80, s31, s6, $0xb8;
	[tilespmem:$0x18380] =	vst v63  }
0xbf: {  	_ =	swait.ge [sflag:s29], $0x3E80  }
0xc0: {  	[sflag:s29] =	ssyncset.done $0x0  }
0xc1: {  	s31 =	sadd.s32 $0xFFFFF060, s28;
	[sflag:s29] =	ssyncadd.s32 $0xFFFFC180  }
0xc2: {  	[tilespmem:s23], [sflag:$0x1] =	stream.linear.gather [hbm4b:s31+s3], $0x3E80, $0x38;
	[tilespmem:$0x18380] =	vst v63  }
0xc3: {  	_ =	swait.ge [sflag:s7], $0x3E80  }
0xc4: {  	[sflag:s7] =	ssyncset.done $0x0  }
0xc5: {  	s31 =	sadd.s32 $0xA300, s8;
	[sflag:s7] =	ssyncadd.s32 $0xFFFFC180  }
0xc6: {  	[spmem:s2] =	stream.indirect.scatter.add.f32 [tilespmem:s24], [sflag:$0x4], $0x80, s31, s6, $0xb8;
	[tilespmem:$0x18380] =	vst v63  }
0xc7: {  	_ =	swait.ge [sflag:s29], $0x3E80  }
0xc8: {  	[sflag:s29] =	ssyncset.done $0x0  }
0xc9: {  	s31 =	sadd.s32 $0xFFFFF830, s28;
	[sflag:s29] =	ssyncadd.s32 $0xFFFFC180  }
0xca: {  	[tilespmem:s24], [sflag:$0x2] =	stream.linear.gather [hbm4b:s31+s3], $0x3E80, $0x38;
	[tilespmem:$0x18380] =	vst v63  }
0xcb: {  	_ =	swait.ge [sflag:s12], $0x3E80  }
0xcc: {  	[sflag:s12] =	ssyncset.done $0x0  }
.Ltmp5:
0xcd: {  	s8 =	sadd.s32 $0xA380, s8;
	[sflag:s12] =	ssyncadd.s32 $0xFFFFC180;
	(pc) =	sbr.rel @!p1 .LBB2_7-.Ltmp5, $4  }
0xce: {  	[spmem:s2] =	stream.indirect.scatter.add.f32 [tilespmem:s26], [sflag:$0x4], $0x80, s8, s6, $0xb8;
	[tilespmem:$0x18380] =	vst v63  }
0xcf: {  	_ =	swait.ge [sflag:s29], $0x3E80  }
0xd0: {  	[sflag:s29] =	ssyncset.done $0x0  }
0xd1: {  	s28 =	sadd.s32 $0x1770, s28;
	[sflag:s29] =	ssyncadd.s32 $0xFFFFC180  }
0xd2: {  	[tilespmem:s26], [sflag:$0x3] =	stream.linear.gather [hbm4b:s21+s3], $0x3E80, $0x38;
	[tilespmem:$0x18380] =	vst v63  }
0xd3: {  	_ =	swait.ge [sflag:s0], $0x3E80  }
0xd4: {  	[sflag:s0] =	ssyncset.done $0x0  }
0xd5: {  	s8 =	simm.s32 $0xC680;
	[sflag:s0] =	ssyncadd.s32 $0xFFFFC180  }
0xd6: {  	[spmem:s2] =	stream.indirect.scatter.add.f32 [tilespmem:s23], [sflag:$0x4], $0x80, s8, s6, $0xb8;
	[tilespmem:$0x18380] =	vst v63  }
0xd7: {  	_ =	swait.ge [sflag:s29], $0x3E80  }
0xd8: {  	[sflag:s29] =	ssyncset.done $0x0  }
0xd9: {  	[sflag:s29] =	ssyncadd.s32 $0xFFFFC180  }
0xda: {  	_ =	swait.ge [sflag:s7], $0x3E80  }
0xdb: {  	[sflag:s7] =	ssyncset.done $0x0  }
0xdc: {  	s28 =	simm.s32 $0xC700;
	[sflag:s7] =	ssyncadd.s32 $0xFFFFC180  }
0xdd: {  	[spmem:s2] =	stream.indirect.scatter.add.f32 [tilespmem:s24], [sflag:$0x4], $0x80, s28, s6, $0xb8;
	[tilespmem:$0x18380] =	vst v63  }
0xde: {  	_ =	swait.ge [sflag:s29], $0x3E80  }
0xdf: {  	[sflag:s29] =	ssyncset.done $0x0  }
.Ltmp6:
0xe0: {  	[sflag:s29] =	ssyncadd.s32 $0xFFFFC180;
	(pc) =	sbr.rel .LBB2_14-.Ltmp6, $4  }
0xe1: {  	_ =	swait.ge [sflag:s12], $0x3E80  }
0xe2: {  	[sflag:s12] =	ssyncset.done $0x0  }
0xe3: {  	s31 =	simm.s32 $0xC780;
	[sflag:s12] =	ssyncadd.s32 $0xFFFFC180  }
0xe4: {  	[spmem:s2] =	stream.indirect.scatter.add.f32 [tilespmem:s26], [sflag:$0x4], $0x80, s31, s6, $0xb8;
	[tilespmem:$0x18380] =	vst v63  }
.LBB2_9:
0xe5: {  	_ =	swait.ge [sflag:s0], $0x3E80  }
0xe6: {  	[sflag:s0] =	ssyncset.done $0x0  }
0xe7: {  	s8 =	simm.s32 $0x7D00;
	[sflag:s0] =	ssyncadd.s32 $0xFFFFC180  }
0xe8: {  	[spmem:s1] =	stream.indirect.scatter.add.f32 [tilespmem:s23], [sflag:$0x4], $0x80, s8, s6, $0xb8;
	[tilespmem:$0x18380] =	vst v63  }
0xe9: {  	_ =	swait.ge [sflag:s29], $0x3E80  }
0xea: {  	[sflag:s29] =	ssyncset.done $0x0  }
0xeb: {  	s31 =	sadd.s32 $0xFFFFF060, s19;
	[sflag:s29] =	ssyncadd.s32 $0xFFFFC180  }
0xec: {  	[tilespmem:s23], [sflag:$0x1] =	stream.linear.gather [hbm4b:s31+s3], $0x3E80, $0x38;
	[tilespmem:$0x18380] =	vst v63  }
0xed: {  	_ =	swait.ge [sflag:s7], $0x3E80  }
0xee: {  	[sflag:s7] =	ssyncset.done $0x0  }
0xef: {  	s13 =	simm.s32 $0x7D80;
	[sflag:s7] =	ssyncadd.s32 $0xFFFFC180  }
0xf0: {  	[spmem:s1] =	stream.indirect.scatter.add.f32 [tilespmem:s24], [sflag:$0x4], $0x80, s13, s6, $0xb8;
	[tilespmem:$0x18380] =	vst v63  }
0xf1: {  	_ =	swait.ge [sflag:s29], $0x3E80  }
0xf2: {  	[sflag:s29] =	ssyncset.done $0x0  }
0xf3: {  	s21 =	sadd.s32 $0xFFFFF830, s19;
	[sflag:s29] =	ssyncadd.s32 $0xFFFFC180  }
0xf4: {  	[tilespmem:s24], [sflag:$0x2] =	stream.linear.gather [hbm4b:s21+s3], $0x3E80, $0x38;
	[tilespmem:$0x18380] =	vst v63  }
0xf5: {  	_ =	swait.ge [sflag:s12], $0x3E80  }
0xf6: {  	[sflag:s12] =	ssyncset.done $0x0  }
0xf7: {  	s31 =	simm.s32 $0x7E00;
	[sflag:s12] =	ssyncadd.s32 $0xFFFFC180  }
0xf8: {  	[spmem:s1] =	stream.indirect.scatter.add.f32 [tilespmem:s26], [sflag:$0x4], $0x80, s31, s6, $0xb8;
	[tilespmem:$0x18380] =	vst v63  }
0xf9: {  	_ =	swait.ge [sflag:s29], $0x3E80  }
0xfa: {  	s28 =	sadd.s32 $0x1770, s19;
	[sflag:s29] =	ssyncset.done $0x0  }
0xfb: {  	s13 =	simm.s32 $0x600;
	s21 =	smov.u32 s19;
	[sflag:s29] =	ssyncadd.s32 $0xFFFFC180  }
.LBB2_10:
0xfc: {  	[tilespmem:s26], [sflag:$0x3] =	stream.linear.gather [hbm4b:s21+s3], $0x3E80, $0x38;
	[tilespmem:$0x18380] =	vst v63  }
0xfd: {  	s8 =	smov.u32 s13;
	s21 =	smov.u32 s28  }
0xfe: {  	p1 =	sne.s32 s13, $0x8A00;
	s13 =	sadd.s32 $0x600, s13;
	_ =	swait.ge [sflag:s0], $0x3E80  }
0xff: {  	s8 =	sshra.s32 s8, $0x2;
	[sflag:s0] =	ssyncset.done $0x0  }
0x100: {  	s31 =	sadd.s32 $0x7D00, s8;
	[sflag:s0] =	ssyncadd.s32 $0xFFFFC180  }
0x101: {  	[spmem:s1] =	stream.indirect.scatter.add.f32 [tilespmem:s23], [sflag:$0x4], $0x80, s31, s6, $0xb8;
	[tilespmem:$0x18380] =	vst v63  }
0x102: {  	_ =	swait.ge [sflag:s29], $0x3E80  }
0x103: {  	[sflag:s29] =	ssyncset.done $0x0  }
0x104: {  	s31 =	sadd.s32 $0xFFFFF060, s28;
	[sflag:s29] =	ssyncadd.s32 $0xFFFFC180  }
0x105: {  	[tilespmem:s23], [sflag:$0x1] =	stream.linear.gather [hbm4b:s31+s3], $0x3E80, $0x38;
	[tilespmem:$0x18380] =	vst v63  }
0x106: {  	_ =	swait.ge [sflag:s7], $0x3E80  }
0x107: {  	[sflag:s7] =	ssyncset.done $0x0  }
0x108: {  	s31 =	sadd.s32 $0x7D80, s8;
	[sflag:s7] =	ssyncadd.s32 $0xFFFFC180  }
0x109: {  	[spmem:s1] =	stream.indirect.scatter.add.f32 [tilespmem:s24], [sflag:$0x4], $0x80, s31, s6, $0xb8;
	[tilespmem:$0x18380] =	vst v63  }
0x10a: {  	_ =	swait.ge [sflag:s29], $0x3E80  }
0x10b: {  	[sflag:s29] =	ssyncset.done $0x0  }
0x10c: {  	s31 =	sadd.s32 $0xFFFFF830, s28;
	[sflag:s29] =	ssyncadd.s32 $0xFFFFC180  }
0x10d: {  	[tilespmem:s24], [sflag:$0x2] =	stream.linear.gather [hbm4b:s31+s3], $0x3E80, $0x38;
	[tilespmem:$0x18380] =	vst v63  }
0x10e: {  	_ =	swait.ge [sflag:s12], $0x3E80  }
0x10f: {  	[sflag:s12] =	ssyncset.done $0x0  }
.Ltmp7:
0x110: {  	s8 =	sadd.s32 $0x7E00, s8;
	[sflag:s12] =	ssyncadd.s32 $0xFFFFC180;
	(pc) =	sbr.rel @p1 .LBB2_10-.Ltmp7, $4  }
0x111: {  	[spmem:s1] =	stream.indirect.scatter.add.f32 [tilespmem:s26], [sflag:$0x4], $0x80, s8, s6, $0xb8;
	[tilespmem:$0x18380] =	vst v63  }
0x112: {  	_ =	swait.ge [sflag:s29], $0x3E80  }
0x113: {  	[sflag:s29] =	ssyncset.done $0x0  }
0x114: {  	s28 =	sadd.s32 $0x1770, s28;
	[sflag:s29] =	ssyncadd.s32 $0xFFFFC180  }
0x115: {  	[tilespmem:s26], [sflag:$0x3] =	stream.linear.gather [hbm4b:s21+s3], $0x3E80, $0x38;
	[tilespmem:$0x18380] =	vst v63  }
0x116: {  	_ =	swait.ge [sflag:s0], $0x3E80  }
0x117: {  	[sflag:s0] =	ssyncset.done $0x0  }
0x118: {  	s8 =	simm.s32 $0xA100;
	[sflag:s0] =	ssyncadd.s32 $0xFFFFC180  }
0x119: {  	[spmem:s1] =	stream.indirect.scatter.add.f32 [tilespmem:s23], [sflag:$0x4], $0x80, s8, s6, $0xb8;
	[tilespmem:$0x18380] =	vst v63  }
0x11a: {  	_ =	swait.ge [sflag:s29], $0x3E80  }
0x11b: {  	[sflag:s29] =	ssyncset.done $0x0  }
0x11c: {  	s8 =	simm.s32 $0x0;
	s13 =	rddreg [dreg:$0x9];
	[sflag:s29] =	ssyncadd.s32 $0xFFFFC180  }
0x11d: {  	[tilespmem:s23], [sflag:$0x1] =	stream.linear.gather [hbm4b:s13+s8], $0x3E80, $0x38;
	[tilespmem:$0x18380] =	vst v63  }
0x11e: {  	_ =	swait.ge [sflag:s7], $0x3E80  }
0x11f: {  	[sflag:s7] =	ssyncset.done $0x0  }
0x120: {  	s21 =	simm.s32 $0xA180;
	[sflag:s7] =	ssyncadd.s32 $0xFFFFC180  }
0x121: {  	[spmem:s1] =	stream.indirect.scatter.add.f32 [tilespmem:s24], [sflag:$0x4], $0x80, s21, s6, $0xb8;
	[tilespmem:$0x18380] =	vst v63  }
0x122: {  	_ =	swait.ge [sflag:s29], $0x3E80  }
0x123: {  	[sflag:s29] =	ssyncset.done $0x0  }
0x124: {  	s31 =	rddreg [dreg:$0xa];
	[sflag:s29] =	ssyncadd.s32 $0xFFFFC180  }
0x125: {  	[tilespmem:s24], [sflag:$0x2] =	stream.linear.gather [hbm4b:s31+s8], $0x3E80, $0x38;
	[tilespmem:$0x18380] =	vst v63  }
0x126: {  	_ =	swait.ge [sflag:s12], $0x3E80  }
0x127: {  	[sflag:s12] =	ssyncset.done $0x0  }
0x128: {  	s21 =	simm.s32 $0xA200;
	[sflag:s12] =	ssyncadd.s32 $0xFFFFC180  }
0x129: {  	[spmem:s1] =	stream.indirect.scatter.add.f32 [tilespmem:s26], [sflag:$0x4], $0x80, s21, s6, $0xb8;
	[tilespmem:$0x18380] =	vst v63  }
0x12a: {  	_ =	swait.ge [sflag:s29], $0x3E80  }
0x12b: {  	[sflag:s29] =	ssyncset.done $0x0  }
0x12c: {  	s31 =	rddreg [dreg:$0xb];
	[sflag:s29] =	ssyncadd.s32 $0xFFFFC180  }
0x12d: {  	[tilespmem:s26], [sflag:$0x3] =	stream.linear.gather [hbm4b:s31+s8], $0x3E80, $0x38;
	[tilespmem:$0x18380] =	vst v63  }
0x12e: {  	_ =	swait.ge [sflag:s0], $0x3E80  }
0x12f: {  	[sflag:s0] =	ssyncset.done $0x0  }
0x130: {  	s21 =	simm.s32 $0xA280;
	[sflag:s0] =	ssyncadd.s32 $0xFFFFC180  }
0x131: {  	[spmem:s2] =	stream.indirect.scatter.add.f32 [tilespmem:s23], [sflag:$0x4], $0x80, s21, s6, $0xb8;
	[tilespmem:$0x18380] =	vst v63  }
0x132: {  	_ =	swait.ge [sflag:s29], $0x3E80  }
0x133: {  	[sflag:s29] =	ssyncset.done $0x0  }
0x134: {  	s31 =	sadd.s32 $0xFFFFF060, s20;
	[sflag:s29] =	ssyncadd.s32 $0xFFFFC180  }
0x135: {  	[tilespmem:s23], [sflag:$0x1] =	stream.linear.gather [hbm4b:s31+s3], $0x3E80, $0x38;
	[tilespmem:$0x18380] =	vst v63  }
0x136: {  	_ =	swait.ge [sflag:s7], $0x3E80  }
0x137: {  	[sflag:s7] =	ssyncset.done $0x0  }
0x138: {  	s13 =	simm.s32 $0xA300;
	[sflag:s7] =	ssyncadd.s32 $0xFFFFC180  }
0x139: {  	[spmem:s2] =	stream.indirect.scatter.add.f32 [tilespmem:s24], [sflag:$0x4], $0x80, s13, s6, $0xb8;
	[tilespmem:$0x18380] =	vst v63  }
0x13a: {  	_ =	swait.ge [sflag:s29], $0x3E80  }
0x13b: {  	[sflag:s29] =	ssyncset.done $0x0  }
0x13c: {  	s21 =	sadd.s32 $0xFFFFF830, s20;
	[sflag:s29] =	ssyncadd.s32 $0xFFFFC180  }
0x13d: {  	[tilespmem:s24], [sflag:$0x2] =	stream.linear.gather [hbm4b:s21+s3], $0x3E80, $0x38;
	[tilespmem:$0x18380] =	vst v63  }
0x13e: {  	_ =	swait.ge [sflag:s12], $0x3E80  }
0x13f: {  	[sflag:s12] =	ssyncset.done $0x0  }
0x140: {  	s31 =	simm.s32 $0xA380;
	[sflag:s12] =	ssyncadd.s32 $0xFFFFC180  }
0x141: {  	[spmem:s2] =	stream.indirect.scatter.add.f32 [tilespmem:s26], [sflag:$0x4], $0x80, s31, s6, $0xb8;
	[tilespmem:$0x18380] =	vst v63  }
0x142: {  	_ =	swait.ge [sflag:s29], $0x3E80  }
0x143: {  	s28 =	sadd.s32 $0x1770, s20;
	[sflag:s29] =	ssyncset.done $0x0  }
0x144: {  	s13 =	simm.s32 $0x600;
	s21 =	smov.u32 s20;
	[sflag:s29] =	ssyncadd.s32 $0xFFFFC180  }
.LBB2_12:
0x145: {  	[tilespmem:s26], [sflag:$0x3] =	stream.linear.gather [hbm4b:s21+s3], $0x3E80, $0x38;
	[tilespmem:$0x18380] =	vst v63  }
0x146: {  	s8 =	smov.u32 s13;
	s21 =	smov.u32 s28  }
0x147: {  	p1 =	seq.s32 s13, $0x8A00;
	s13 =	sadd.s32 $0x600, s13;
	_ =	swait.ge [sflag:s0], $0x3E80  }
0x148: {  	s8 =	sshra.s32 s8, $0x2;
	[sflag:s0] =	ssyncset.done $0x0  }
0x149: {  	s31 =	sadd.s32 $0xA280, s8;
	[sflag:s0] =	ssyncadd.s32 $0xFFFFC180  }
0x14a: {  	[spmem:s2] =	stream.indirect.scatter.add.f32 [tilespmem:s23], [sflag:$0x4], $0x80, s31, s6, $0xb8;
	[tilespmem:$0x18380] =	vst v63  }
0x14b: {  	_ =	swait.ge [sflag:s29], $0x3E80  }
0x14c: {  	[sflag:s29] =	ssyncset.done $0x0  }
0x14d: {  	s31 =	sadd.s32 $0xFFFFF060, s28;
	[sflag:s29] =	ssyncadd.s32 $0xFFFFC180  }
0x14e: {  	[tilespmem:s23], [sflag:$0x1] =	stream.linear.gather [hbm4b:s31+s3], $0x3E80, $0x38;
	[tilespmem:$0x18380] =	vst v63  }
0x14f: {  	_ =	swait.ge [sflag:s7], $0x3E80  }
0x150: {  	[sflag:s7] =	ssyncset.done $0x0  }
0x151: {  	s31 =	sadd.s32 $0xA300, s8;
	[sflag:s7] =	ssyncadd.s32 $0xFFFFC180  }
0x152: {  	[spmem:s2] =	stream.indirect.scatter.add.f32 [tilespmem:s24], [sflag:$0x4], $0x80, s31, s6, $0xb8;
	[tilespmem:$0x18380] =	vst v63  }
0x153: {  	_ =	swait.ge [sflag:s29], $0x3E80  }
0x154: {  	[sflag:s29] =	ssyncset.done $0x0  }
0x155: {  	s31 =	sadd.s32 $0xFFFFF830, s28;
	[sflag:s29] =	ssyncadd.s32 $0xFFFFC180  }
0x156: {  	[tilespmem:s24], [sflag:$0x2] =	stream.linear.gather [hbm4b:s31+s3], $0x3E80, $0x38;
	[tilespmem:$0x18380] =	vst v63  }
0x157: {  	_ =	swait.ge [sflag:s12], $0x3E80  }
0x158: {  	[sflag:s12] =	ssyncset.done $0x0  }
.Ltmp8:
0x159: {  	s8 =	sadd.s32 $0xA380, s8;
	[sflag:s12] =	ssyncadd.s32 $0xFFFFC180;
	(pc) =	sbr.rel @!p1 .LBB2_12-.Ltmp8, $4  }
0x15a: {  	[spmem:s2] =	stream.indirect.scatter.add.f32 [tilespmem:s26], [sflag:$0x4], $0x80, s8, s6, $0xb8;
	[tilespmem:$0x18380] =	vst v63  }
0x15b: {  	_ =	swait.ge [sflag:s29], $0x3E80  }
0x15c: {  	[sflag:s29] =	ssyncset.done $0x0  }
0x15d: {  	s28 =	sadd.s32 $0x1770, s28;
	[sflag:s29] =	ssyncadd.s32 $0xFFFFC180  }
.Ltmp9:
0x15e: {  	_ = 	snop;
	(pc) =	sbr.rel .LBB2_13-.Ltmp9, $1  }
0x15f: {  	_ =	sdelay $0x3  }
.LBB2_15:
0x160: {  	_ =	sfence.sel $0x180000  }
0x161: {  	[bflag:$0x0] =	sbarrier.arrive $0xFFFF  }
0x162: {  	_ =	strace $0x90000047  }
0x163: {  	[bflag:$0x2] =	sbarrier.arrive $0xFFFF  }
0x164: {  	p0 =	sne.s32 s4, $0x0;
	s0 =	rddreg [dreg:$0x8]  }
0x165: {  	s0 =	sadd.s32 @!p0 $0x100000, s0  }
0x166: {  	[sflag:s0] =	ssyncadd.tile.s32 @!p0 $0x1;
	_ =	shalt  }
.Lfunc_end2:
_tile_overlayer_lowered:
.L_overlay_start_2:
0x167: {  	(tag) =	ssettag $0x2  }
0x168: {  	s0 =	rddreg [dreg:$0x0];
	s2 =	stileid.u32  }
0x169: {  	s1 =	rddreg [dreg:$0x1];
	p0 =	sne.s32 s2, $0x0  }
0x16a: {  	s3 =	rddreg [dreg:$0x2];
	[bflag:$0x3] =	sbarrier.arrive $0xFFFF;
	s2 =	simm.s32 @!p0 $0x1C04  }
0x16b: {  	[timem:s3], [sflag:s2] =	dma.local @!p0 [hbm:s0], s1  }
0x16c: {  	s0 =	simm.s32 @!p0 $0x4  }
0x16d: {  	_ =	swait.ge @!p0 [sflag:s0], s1  }
0x16e: {  	s1 =	ssub.s32 @!p0 $0x0, s1;
	[sflag:s0] =	ssyncset.done @!p0 $0x0  }
0x16f: {  	[sflag:s0] =	ssyncadd.s32 @!p0 s1  }
0x170: {  	[bflag:$0x3] =	sbarrier.arrive $0xFFFF  }
0x171: {  	_ =	shalt  }

</sc_bundles>
